<compile_context>
chip_gen: v7x
topology: tpu7x:2x2x1
jax: 0.10.2.dev20260603
libtpu: 0.0.44.dev20260713+nightly
codegen_flags: <defaults>
</compile_context>

<pallas_src>
import functools

import jax
import jax.numpy as jnp
from jax import lax
from jax.experimental import pallas as pl
from jax.experimental.pallas import tpu as pltpu
from jax.experimental.pallas import tpu_sc as plsc

N = 8192
D = 768
H = 12
DH = 64
BUCKET = 64
NH = 4
NB = N // BUCKET
NCH = NH * NB
TOT = NH * N

_RB = 512
_CPB = 16
_SO_D = 128


def _proj_hash_body(q_ref, wqk_ref, wv_ref, rot_ref, widx_ref, qkv_ref, keys_ref):
    q = q_ref[...]
    qk = jnp.dot(q, wqk_ref[...], preferred_element_type=jnp.float32)
    v = jnp.dot(q, wv_ref[...], preferred_element_type=jnp.float32)
    row0 = pl.program_id(0) * _RB
    pos = row0 + lax.broadcasted_iota(jnp.int32, (_RB, 1), 0)
    for h in range(H):
        qk_h = qk[:, DH * h:DH * (h + 1)]
        qkv_ref[:, 128 * h:128 * h + 64] = qk_h
        qkv_ref[:, 128 * h + 64:128 * h + 128] = v[:, DH * h:DH * (h + 1)]
        r = jnp.dot(qk_h, rot_ref[...], preferred_element_type=jnp.float32)
        oh = jnp.concatenate(
            [(r[:, 128 * nh:128 * (nh + 1)] >=
              jnp.max(r[:, 128 * nh:128 * (nh + 1)], axis=1, keepdims=True)
              ).astype(jnp.float32) for nh in range(NH)], axis=1)
        idx4 = jnp.dot(oh, widx_ref[...], preferred_element_type=jnp.float32)
        keys_ref[:, NH * h:NH * (h + 1)] = idx4.astype(jnp.int32) * N + pos
    del v


def _proj_hash(queries2d, W_qk, W_v, rot_cat, widx):
    grid = (N // _RB,)
    return pl.pallas_call(
        _proj_hash_body,
        grid=grid,
        in_specs=[
            pl.BlockSpec((_RB, D), lambda i: (i, 0)),
            pl.BlockSpec((D, D), lambda i: (0, 0)),
            pl.BlockSpec((D, D), lambda i: (0, 0)),
            pl.BlockSpec((DH, NH * 128), lambda i: (0, 0)),
            pl.BlockSpec((NH * 128, NH), lambda i: (0, 0)),
        ],
        out_specs=[
            pl.BlockSpec((_RB, H * 128), lambda i: (i, 0)),
            pl.BlockSpec((_RB, H * NH), lambda i: (i, 0)),
        ],
        out_shape=[
            jax.ShapeDtypeStruct((N, H * 128), jnp.float32),
            jax.ShapeDtypeStruct((N, H * NH), jnp.int32),
        ],
    )(queries2d, W_qk, W_v, rot_cat, widx)


def _sc_gather(table, idx, d_row, chunk):
    btot = idx.shape[0]
    nw = 32
    bpw = btot // nw
    steps = bpw // chunk
    pairs = steps // 2
    mesh = plsc.VectorSubcoreMesh(core_axis_name="c", subcore_axis_name="s")

    @functools.partial(
        pl.kernel, mesh=mesh,
        out_type=jax.ShapeDtypeStruct((btot, d_row), jnp.float32),
        scratch_types=[
            pltpu.VMEM((chunk,), jnp.int32),
            pltpu.VMEM((chunk,), jnp.int32),
            pltpu.VMEM((chunk, d_row), jnp.float32),
            pltpu.VMEM((chunk, d_row), jnp.float32),
            pltpu.SemaphoreType.DMA,
            pltpu.SemaphoreType.DMA,
        ],
    )
    def k(table_hbm, idx_hbm, out_hbm, idx_v0, idx_v1, rows_v0, rows_v1,
          sg0, sg1):
        wid = lax.axis_index("s") * 2 + lax.axis_index("c")
        base = wid * bpw

        pltpu.sync_copy(idx_hbm.at[pl.ds(base, chunk)], idx_v0)
        pltpu.async_copy(table_hbm.at[idx_v0], rows_v0, sg0)

        def body(ii, carry):
            i0 = 2 * ii
            pltpu.sync_copy(idx_hbm.at[pl.ds(base + (i0 + 1) * chunk, chunk)],
                            idx_v1)
            pltpu.async_copy(table_hbm.at[idx_v1], rows_v1, sg1)
            pltpu.make_async_copy(table_hbm.at[idx_v0], rows_v0, sg0).wait()
            pltpu.sync_copy(rows_v0, out_hbm.at[pl.ds(base + i0 * chunk, chunk)])

            @pl.when(ii + 1 < pairs)
            def _():
                pltpu.sync_copy(
                    idx_hbm.at[pl.ds(base + (i0 + 2) * chunk, chunk)], idx_v0)
                pltpu.async_copy(table_hbm.at[idx_v0], rows_v0, sg0)

            pltpu.make_async_copy(table_hbm.at[idx_v1], rows_v1, sg1).wait()
            pltpu.sync_copy(rows_v1,
                            out_hbm.at[pl.ds(base + (i0 + 1) * chunk, chunk)])
            return carry

        lax.fori_loop(0, pairs, body, 0)

    return k(table, idx)


def _sc_scatter(src, idx, d_row, chunk):
    btot = idx.shape[0]
    nw = 32
    bpw = btot // nw
    steps = bpw // chunk
    mesh = plsc.VectorSubcoreMesh(core_axis_name="c", subcore_axis_name="s")

    @functools.partial(
        pl.kernel, mesh=mesh,
        out_type=jax.ShapeDtypeStruct((btot, d_row), jnp.float32),
        scratch_types=[
            pltpu.VMEM((chunk,), jnp.int32),
            pltpu.VMEM((chunk, d_row), jnp.float32),
            pltpu.SemaphoreType.DMA,
        ],
    )
    def k(src_hbm, idx_hbm, out_hbm, idx_v, rows_v, sem):
        wid = lax.axis_index("s") * 2 + lax.axis_index("c")
        base = wid * bpw

        def body(i, carry):
            off = base + i * chunk
            pltpu.sync_copy(idx_hbm.at[pl.ds(off, chunk)], idx_v)
            pltpu.sync_copy(src_hbm.at[pl.ds(off, chunk)], rows_v)
            pltpu.async_copy(rows_v, out_hbm.at[idx_v], sem).wait()
            return carry

        lax.fori_loop(0, steps, body, 0)

    return k(src, idx)


def _attn_body(sqkv_c, sqkv_p, strow_c, strow_p, stcol_c, band_ref, so_ref):
    rows = _CPB * BUCKET
    cur = sqkv_c[0]
    prevb = sqkv_p[0]
    trow_c = strow_c[0, 0]
    trow_p = strow_p[0, 0]
    tcol = stcol_c[0, 0]
    band = band_ref[...]
    scale = DH ** -0.5

    ext = jnp.concatenate([prevb, cur], axis=0)
    ext_k = ext[:, 0:64]
    nrm = jnp.sqrt(jnp.sum(ext_k * ext_k, axis=1, keepdims=True))
    ext_k = ext_k / jnp.maximum(nrm, 1e-6)
    ext_t = jnp.concatenate([trow_p[:, rows - 64:rows], trow_c], axis=1)

    for u in range(_CPB // 2):
        r0 = 128 * u
        q_u = cur[r0:r0 + 128, 0:64]
        k_u = ext_k[r0:r0 + 192, :]
        v_u = ext[r0:r0 + 192, 64:128]
        dots = lax.dot_general(q_u, k_u, (((1,), (1,)), ((), ())),
                               preferred_element_type=jnp.float32) * scale
        t_q = tcol[r0:r0 + 128, :]
        t_k = ext_t[:, r0:r0 + 192]
        dots = jnp.where(t_q == t_k, dots - 1e5, dots) + band
        m = jnp.max(dots, axis=1, keepdims=True)
        p = jnp.exp(dots - m)
        s = jnp.sum(p, axis=1, keepdims=True)
        bo = lax.dot_general(p, v_u, (((1,), (0,)), ((), ())),
                             preferred_element_type=jnp.float32) / s
        so_ref[0, r0:r0 + 128, 0:64] = bo
        so_ref[0, r0:r0 + 128, 64:65] = m + jnp.log(s)


def _attention(sqkv, st_row4, st_col4, band):
    nblk = NCH // _CPB
    rows = _CPB * BUCKET
    return pl.pallas_call(
        _attn_body,
        grid=(H, nblk),
        in_specs=[
            pl.BlockSpec((1, rows, 128), lambda h, i: (h, i, 0)),
            pl.BlockSpec((1, 64, 128), lambda h, i: (h, (_CPB * i - 1) % NCH, 0)),
            pl.BlockSpec((1, 1, 1, rows), lambda h, i: (h, i, 0, 0)),
            pl.BlockSpec((1, 1, 1, rows), lambda h, i: (h, (i - 1) % nblk, 0, 0)),
            pl.BlockSpec((1, 1, rows, 1), lambda h, i: (h, i, 0, 0)),
            pl.BlockSpec((128, 192), lambda h, i: (0, 0)),
        ],
        out_specs=pl.BlockSpec((1, rows, _SO_D), lambda h, i: (h, i, 0)),
        out_shape=jax.ShapeDtypeStruct((H, TOT, _SO_D), jnp.float32),
    )(sqkv, sqkv, st_row4, st_row4, st_col4, band)


def _combine_body(o_ref, w_ref, b_ref, out_ref):
    h = pl.program_id(1)
    blk = o_ref[0]
    logit = [blk[i, :, 64:65] for i in range(NH)]
    m = jnp.maximum(jnp.maximum(logit[0], logit[1]),
                    jnp.maximum(logit[2], logit[3]))
    e = [jnp.exp(x - m) for x in logit]
    s = e[0] + e[1] + e[2] + e[3]
    comb = sum(blk[i, :, 0:64] * (e[i] / s) for i in range(NH))
    contrib = jnp.dot(comb, w_ref[...], preferred_element_type=jnp.float32)

    @pl.when(h == 0)
    def _():
        out_ref[...] = contrib + b_ref[...]

    @pl.when(h != 0)
    def _():
        out_ref[...] += contrib


def _combine(o_uns4, W_out, b_out2):
    return pl.pallas_call(
        _combine_body,
        grid=(N // _RB, H),
        in_specs=[
            pl.BlockSpec((1, NH, _RB, _SO_D), lambda i, h: (h, 0, i, 0)),
            pl.BlockSpec((DH, D), lambda i, h: (h, 0)),
            pl.BlockSpec((1, D), lambda i, h: (0, 0)),
        ],
        out_specs=pl.BlockSpec((_RB, D), lambda i, h: (i, 0)),
        out_shape=jax.ShapeDtypeStruct((N, D), jnp.float32),
    )(o_uns4, W_out, b_out2)


def kernel(queries, keys, values, attn_mask, tau, delta, W_qk, W_v, W_out, b_out):
    del keys, values, attn_mask, tau, delta
    q2 = queries.reshape(N, D)

    rot = jax.random.normal(jax.random.key(42), (DH, NH, NB // 2), jnp.float32)
    rot_cat = jnp.concatenate([rot, -rot], axis=-1).reshape(DH, NH * 128)
    lanes = jnp.arange(NH * 128, dtype=jnp.int32)
    widx = jnp.where(lanes[:, None] // 128 == jnp.arange(NH)[None, :],
                     lanes[:, None] % 128, 0).astype(jnp.float32)

    qkv, keys_tok = _proj_hash(q2, W_qk, W_v, rot_cat, widx)

    keys_hm = keys_tok.reshape(N, H, NH).transpose(1, 2, 0)
    skeys = jnp.sort(keys_hm, axis=-1, stable=False)
    st3 = skeys & (N - 1)
    st = st3.reshape(H, TOT)
    sticker = (st3 + (jnp.arange(NH, dtype=jnp.int32) * N)[None, :, None]
               ).reshape(H, TOT)

    gidx1 = (st * H + jnp.arange(H, dtype=jnp.int32)[:, None]).reshape(-1)
    sqkv = _sc_gather(qkv.reshape(N * H, 128), gidx1, 128, 384)
    sqkv = sqkv.reshape(H, TOT, 128)

    st_row4 = st.reshape(H, NCH // _CPB, 1, _CPB * BUCKET)
    st_col4 = st.reshape(H, NCH // _CPB, _CPB * BUCKET, 1)
    rb = jnp.arange(128, dtype=jnp.int32)[:, None] // BUCKET
    cb = jnp.arange(192, dtype=jnp.int32)[None, :] // BUCKET
    band = jnp.where((cb == rb) | (cb == rb + 1), 0.0, -1e9).astype(jnp.float32)
    so = _attention(sqkv, st_row4, st_col4, band)

    scidx = (sticker + (jnp.arange(H, dtype=jnp.int32) * TOT)[:, None]).reshape(-1)
    o_uns = _sc_scatter(so.reshape(H * TOT, _SO_D), scidx, _SO_D, 768)
    o_uns4 = o_uns.reshape(H, NH, N, _SO_D)

    out = _combine(o_uns4, W_out, b_out.reshape(1, D))
    return out.reshape(1, N, D)

# --- scband reference (transcript-rebuilt; emitter-appended) ---
"""Pipeline reference for scband-reformer-layer-45423574122705 (READ-ONLY COPY).

The authoritative reference and input builder live on the scoring server;
editing this copy changes nothing except your own understanding.
"""

import jax, jax.numpy as jnp
import numpy as np

B = 1
N = 8192
D = 768
H = 12
DH = D // H
BUCKET = 64
NH = 4


def setup_inputs(seed: int = 0) -> dict:
    key = jax.random.key(seed)
    ks = jax.random.split(key, 6)
    queries = jax.random.normal(ks[0], (B, N, D), dtype=jnp.float32)
    keys = jax.random.normal(ks[1], (B, N, D), dtype=jnp.float32)
    values = jax.random.normal(ks[2], (B, N, D), dtype=jnp.float32)
    attn_mask = jnp.ones((1,), dtype=bool)
    tau = jnp.ones((1,), dtype=jnp.float32)
    delta = jnp.ones((1,), dtype=jnp.float32)
    W_qk = jax.random.normal(ks[3], (D, H * DH), dtype=jnp.float32) / np.sqrt(D)
    W_v = jax.random.normal(ks[4], (D, H * DH), dtype=jnp.float32) / np.sqrt(D)
    W_out = jax.random.normal(ks[5], (H * DH, D), dtype=jnp.float32) / np.sqrt(H * DH)
    b_out = jnp.zeros((D,), dtype=jnp.float32)
    return {"queries": queries, "keys": keys, "values": values,
            "attn_mask": attn_mask, "tau": tau, "delta": delta,
            "W_qk": W_qk, "W_v": W_v, "W_out": W_out, "b_out": b_out}


def _hash_vectors(qk, n_buckets, n_hashes, rng):
    bh, t, d = qk.shape
    rotations = jax.random.normal(rng, (d, n_hashes, n_buckets // 2), dtype=jnp.float32)
    rotated = jnp.einsum('btf,fhi->bhti', qk, rotations)
    rotated = jnp.concatenate([rotated, -rotated], axis=-1)
    buckets = jnp.argmax(rotated, axis=-1)  # (bh, n_hashes, t)
    offsets = (jnp.arange(n_hashes) * n_buckets)[None, :, None]
    return (buckets + offsets).reshape(bh, n_hashes * t)


def _look_one_back(x):
    return jnp.concatenate([x, jnp.roll(x, 1, axis=1)], axis=2)


def _lsh_attention(qk, v, bucket_size, n_hashes):
    bh, t, d = qk.shape
    n_buckets = t // bucket_size
    buckets = _hash_vectors(qk, n_buckets, n_hashes, jax.random.key(42))
    total = n_hashes * t
    ticker = jnp.broadcast_to(jnp.arange(total)[None, :], (bh, total))
    buckets_and_t = t * buckets + (ticker % t)
    sticker = jnp.argsort(buckets_and_t, axis=-1)
    undo_sort = jnp.argsort(sticker, axis=-1)
    st = sticker % t
    sqk = jnp.take_along_axis(qk, st[..., None], axis=1)
    sv = jnp.take_along_axis(v, st[..., None], axis=1)
    n_chunks = n_hashes * n_buckets
    bq_t = st.reshape(bh, n_chunks, bucket_size)
    bqk = sqk.reshape(bh, n_chunks, bucket_size, d)
    bv = sv.reshape(bh, n_chunks, bucket_size, d)
    bq = bqk
    bk = bqk / jnp.maximum(jnp.linalg.norm(bqk, axis=-1, keepdims=True), 1e-6)
    bk = _look_one_back(bk)
    bv = _look_one_back(bv)
    bkv_t = _look_one_back(bq_t)
    dots = jnp.einsum('bnie,bnje->bnij', bq, bk) * (d ** -0.5)
    self_mask = (bq_t[..., :, None] == bkv_t[..., None, :]).astype(dots.dtype)
    dots = dots - 1e5 * self_mask
    dots_lse = jax.scipy.special.logsumexp(dots, axis=-1, keepdims=True)
    dots_p = jnp.exp(dots - dots_lse)
    bo = jnp.einsum('bnij,bnje->bnie', dots_p, bv)
    so = bo.reshape(bh, total, d)
    slogits = dots_lse.reshape(bh, total)
    o = jnp.take_along_axis(so, undo_sort[..., None], axis=1)
    logits = jnp.take_along_axis(slogits, undo_sort, axis=1)
    o = o.reshape(bh, n_hashes, t, d)
    logits = logits.reshape(bh, n_hashes, t, 1)
    probs = jnp.exp(logits - jax.scipy.special.logsumexp(logits, axis=1, keepdims=True))
    return jnp.sum(o * probs, axis=1)


def _forward(queries, W_qk, W_v, W_out, b_out):
    b, n, _ = queries.shape
    # fit_length: n % (2*bucket_size) == 0, so it is a no-op; then [:, :n, :]
    qk = queries @ W_qk
    v = queries @ W_v
    qk = qk.reshape(b, n, H, DH).transpose(0, 2, 1, 3).reshape(b * H, n, DH)
    v = v.reshape(b, n, H, DH).transpose(0, 2, 1, 3).reshape(b * H, n, DH)
    out = _lsh_attention(qk, v, BUCKET, NH)
    out = out.reshape(b, H, n, DH).transpose(0, 2, 1, 3).reshape(b, n, H * DH)
    return out @ W_out + b_out


def reference(queries, keys, values, attn_mask, tau, delta, W_qk, W_v, W_out, b_out):
    # keys/values/attn_mask/tau/delta are accepted but unused by ReformerLayer.forward
    return _forward(queries, W_qk, W_v, W_out, b_out)

if __name__ == "__main__":
    import jax
    _d = setup_inputs()
    print(jax.jit(kernel)(*tuple(_d.values())))

</pallas_src>

<mosaic_0001>
#map = affine_map<(d0, d1) -> (0, 0)>
#map1 = affine_map<(d0, d1) -> (0)>
module attributes {stable_mosaic.version = 14 : i64} {
  func.func @k(%arg0: i32, %arg1: i32, %arg2: memref<98304x128xf32, #tpu.memory_space<hbm>>, %arg3: memref<393216xi32, #tpu.memory_space<hbm>>, %arg4: memref<393216x128xf32, #tpu.memory_space<hbm>>, %arg5: memref<384xi32, #tpu.memory_space<vmem>>, %arg6: memref<384xi32, #tpu.memory_space<vmem>>, %arg7: memref<384x128xf32, #tpu.memory_space<vmem>>, %arg8: memref<384x128xf32, #tpu.memory_space<vmem>>, %arg9: memref<!tpu.dma_semaphore, #tpu.memory_space<semaphore_mem>>, %arg10: memref<!tpu.dma_semaphore, #tpu.memory_space<semaphore_mem>>) attributes {dimension_semantics = [#tpu.dimension_semantics<core_parallel>, #tpu.dimension_semantics<subcore_parallel>], iteration_bounds = array<i64: 2, 16>, scalar_prefetch = 0 : i64, scratch_operands = 6 : i64, tpu.core_type = #tpu.core_type<sc_vector_subcore>, window_params = [{transform_indices = #map}, {transform_indices = #map1}, {transform_indices = #map}]} {
    %mul3A = arith.constant 2 : i32
    %mul3A_0 = arith.muli %arg1, %mul3A : i32
    %add3A = arith.addi %mul3A_0, %arg0 : i32
    %mul3A_1 = arith.constant 12288 : i32
    %mul3A_2 = arith.muli %add3A, %mul3A_1 : i32
    "tpu.region"() ({
      %run_scoped3A = tpu.sem_alloc : memref<!tpu.dma_semaphore, #tpu.memory_space<semaphore_mem>>
      %dma_start3A_10 = tpu.memref_slice %arg3[%mul3A_2] : memref<393216xi32, #tpu.memory_space<hbm>> -> memref<384xi32, #tpu.memory_space<hbm>>
      %dma_start3A_11 = tpu.memref_slice %arg3[%mul3A_2] : memref<393216xi32, #tpu.memory_space<hbm>> -> memref<384xi32, #tpu.memory_space<hbm>>
      tpu.enqueue_dma source(%dma_start3A_11 : memref<384xi32, #tpu.memory_space<hbm>>) target(%arg5 : memref<384xi32, #tpu.memory_space<vmem>>) target_semaphore(%run_scoped3A : memref<!tpu.dma_semaphore, #tpu.memory_space<semaphore_mem>>)
      %dma_wait3A = tpu.memref_slice %arg3[%mul3A_2] : memref<393216xi32, #tpu.memory_space<hbm>> -> memref<384xi32, #tpu.memory_space<hbm>>
      %dma_wait3A_12 = tpu.memref_slice %arg3[%mul3A_2] : memref<393216xi32, #tpu.memory_space<hbm>> -> memref<384xi32, #tpu.memory_space<hbm>>
      tpu.wait_dma2 semaphore(%run_scoped3A : memref<!tpu.dma_semaphore, #tpu.memory_space<semaphore_mem>>) src(%dma_wait3A_12 : memref<384xi32, #tpu.memory_space<hbm>>) dst(%arg5 : memref<384xi32, #tpu.memory_space<vmem>>)
      tpu.yield
    }) : () -> ()
    %dma_start3A = arith.constant 0 : i32
    %dma_start3A_3 = arith.constant 0 : i32
    %dma_start3A_4 = tpu.memref_slice %arg2[%dma_start3A, %dma_start3A_3] : memref<98304x128xf32, #tpu.memory_space<hbm>> -> memref<98304x128xf32, #tpu.memory_space<hbm>>
    tpu.enqueue_indirect_dma source(%dma_start3A_4 : memref<98304x128xf32, #tpu.memory_space<hbm>>) target(%arg7 : memref<384x128xf32, #tpu.memory_space<vmem>>) offsets(%arg5 : memref<384xi32, #tpu.memory_space<vmem>>) semaphore(%arg9 : memref<!tpu.dma_semaphore, #tpu.memory_space<semaphore_mem>>)
    %scan3A = arith.constant 0 : i32
    %scan3A_5 = arith.constant 0 : i32
    %scan3A_6 = arith.constant 16 : i32
    %scan3A_7 = arith.addi %scan3A_5, %scan3A_6 : i32
    %scan3A_8 = arith.constant 1 : i32
    scf.for %scan3A_10 = %scan3A_5 to %scan3A_7 step %scan3A_8  : i32 {
      %mul3A_11 = arith.constant 2 : i32
      %mul3A_12 = arith.muli %mul3A_11, %scan3A_10 : i32
      %add3A_13 = arith.constant 1 : i32
      %add3A_14 = arith.addi %mul3A_12, %add3A_13 : i32
      %mul3A_15 = arith.constant 384 : i32
      %mul3A_16 = arith.muli %add3A_14, %mul3A_15 : i32
      %add3A_17 = arith.addi %mul3A_2, %mul3A_16 : i32
      "tpu.region"() ({
        %run_scoped3A = tpu.sem_alloc : memref<!tpu.dma_semaphore, #tpu.memory_space<semaphore_mem>>
        %dma_start3A_38 = tpu.memref_slice %arg3[%add3A_17] : memref<393216xi32, #tpu.memory_space<hbm>> -> memref<384xi32, #tpu.memory_space<hbm>>
        %dma_start3A_39 = tpu.memref_slice %arg3[%add3A_17] : memref<393216xi32, #tpu.memory_space<hbm>> -> memref<384xi32, #tpu.memory_space<hbm>>
        tpu.enqueue_dma source(%dma_start3A_39 : memref<384xi32, #tpu.memory_space<hbm>>) target(%arg6 : memref<384xi32, #tpu.memory_space<vmem>>) target_semaphore(%run_scoped3A : memref<!tpu.dma_semaphore, #tpu.memory_space<semaphore_mem>>)
        %dma_wait3A_40 = tpu.memref_slice %arg3[%add3A_17] : memref<393216xi32, #tpu.memory_space<hbm>> -> memref<384xi32, #tpu.memory_space<hbm>>
        %dma_wait3A_41 = tpu.memref_slice %arg3[%add3A_17] : memref<393216xi32, #tpu.memory_space<hbm>> -> memref<384xi32, #tpu.memory_space<hbm>>
        tpu.wait_dma2 semaphore(%run_scoped3A : memref<!tpu.dma_semaphore, #tpu.memory_space<semaphore_mem>>) src(%dma_wait3A_41 : memref<384xi32, #tpu.memory_space<hbm>>) dst(%arg6 : memref<384xi32, #tpu.memory_space<vmem>>)
        tpu.yield
      }) : () -> ()
      %dma_start3A_18 = arith.constant 0 : i32
      %dma_start3A_19 = arith.constant 0 : i32
      %dma_start3A_20 = tpu.memref_slice %arg2[%dma_start3A_18, %dma_start3A_19] : memref<98304x128xf32, #tpu.memory_space<hbm>> -> memref<98304x128xf32, #tpu.memory_space<hbm>>
      tpu.enqueue_indirect_dma source(%dma_start3A_20 : memref<98304x128xf32, #tpu.memory_space<hbm>>) target(%arg8 : memref<384x128xf32, #tpu.memory_space<vmem>>) offsets(%arg6 : memref<384xi32, #tpu.memory_space<vmem>>) semaphore(%arg10 : memref<!tpu.dma_semaphore, #tpu.memory_space<semaphore_mem>>)
      %dma_wait3A = arith.constant 0 : i32
      %dma_wait3A_21 = arith.constant 0 : i32
      %dma_wait3A_22 = tpu.memref_slice %arg2[%dma_wait3A, %dma_wait3A_21] : memref<98304x128xf32, #tpu.memory_space<hbm>> -> memref<98304x128xf32, #tpu.memory_space<hbm>>
      tpu.wait_indirect_dma semaphore(%arg9 : memref<!tpu.dma_semaphore, #tpu.memory_space<semaphore_mem>>) src(%dma_wait3A_22 : memref<98304x128xf32, #tpu.memory_space<hbm>>) dst(%arg7 : memref<384x128xf32, #tpu.memory_space<vmem>>)
      %mul3A_23 = arith.constant 384 : i32
      %mul3A_24 = arith.muli %mul3A_12, %mul3A_23 : i32
      %add3A_25 = arith.addi %mul3A_2, %mul3A_24 : i32
      "tpu.region"() ({
        %run_scoped3A = tpu.sem_alloc : memref<!tpu.dma_semaphore, #tpu.memory_space<semaphore_mem>>
        %dma_start3A_38 = arith.constant 0 : i32
        %dma_start3A_39 = tpu.memref_slice %arg4[%add3A_25, %dma_start3A_38] : memref<393216x128xf32, #tpu.memory_space<hbm>> -> memref<384x128xf32, #tpu.memory_space<hbm>>
        %dma_start3A_40 = arith.constant 0 : i32
        %dma_start3A_41 = tpu.memref_slice %arg4[%add3A_25, %dma_start3A_40] : memref<393216x128xf32, #tpu.memory_space<hbm>> -> memref<384x128xf32, #tpu.memory_space<hbm>>
        tpu.enqueue_dma source(%arg7 : memref<384x128xf32, #tpu.memory_space<vmem>>) target(%dma_start3A_41 : memref<384x128xf32, #tpu.memory_space<hbm>>) target_semaphore(%run_scoped3A : memref<!tpu.dma_semaphore, #tpu.memory_space<semaphore_mem>>)
        %dma_wait3A_42 = arith.constant 0 : i32
        %dma_wait3A_43 = tpu.memref_slice %arg4[%add3A_25, %dma_wait3A_42] : memref<393216x128xf32, #tpu.memory_space<hbm>> -> memref<384x128xf32, #tpu.memory_space<hbm>>
        %dma_wait3A_44 = arith.constant 0 : i32
        %dma_wait3A_45 = tpu.memref_slice %arg4[%add3A_25, %dma_wait3A_44] : memref<393216x128xf32, #tpu.memory_space<hbm>> -> memref<384x128xf32, #tpu.memory_space<hbm>>
        tpu.wait_dma2 semaphore(%run_scoped3A : memref<!tpu.dma_semaphore, #tpu.memory_space<semaphore_mem>>) src(%arg7 : memref<384x128xf32, #tpu.memory_space<vmem>>) dst(%dma_wait3A_45 : memref<384x128xf32, #tpu.memory_space<hbm>>)
        tpu.yield
      }) : () -> ()
      %add3A_26 = arith.constant 1 : i32
      %add3A_27 = arith.addi %scan3A_10, %add3A_26 : i32
      %lt3A = arith.constant 16 : i32
      %lt3A_28 = arith.cmpi slt, %add3A_27, %lt3A : i32
      %convert_element_type3A = arith.extui %lt3A_28 : i1 to i32
      %cond3A = arith.constant 0 : i32
      %cond3A_29 = arith.cmpi ne, %convert_element_type3A, %cond3A : i32
      scf.if %cond3A_29 {
        %add3A_38 = arith.constant 2 : i32
        %add3A_39 = arith.addi %mul3A_12, %add3A_38 : i32
        %mul3A_40 = arith.constant 384 : i32
        %mul3A_41 = arith.muli %add3A_39, %mul3A_40 : i32
        %add3A_42 = arith.addi %mul3A_2, %mul3A_41 : i32
        "tpu.region"() ({
          %run_scoped3A = tpu.sem_alloc : memref<!tpu.dma_semaphore, #tpu.memory_space<semaphore_mem>>
          %dma_start3A_46 = tpu.memref_slice %arg3[%add3A_42] : memref<393216xi32, #tpu.memory_space<hbm>> -> memref<384xi32, #tpu.memory_space<hbm>>
          %dma_start3A_47 = tpu.memref_slice %arg3[%add3A_42] : memref<393216xi32, #tpu.memory_space<hbm>> -> memref<384xi32, #tpu.memory_space<hbm>>
          tpu.enqueue_dma source(%dma_start3A_47 : memref<384xi32, #tpu.memory_space<hbm>>) target(%arg5 : memref<384xi32, #tpu.memory_space<vmem>>) target_semaphore(%run_scoped3A : memref<!tpu.dma_semaphore, #tpu.memory_space<semaphore_mem>>)
          %dma_wait3A_48 = tpu.memref_slice %arg3[%add3A_42] : memref<393216xi32, #tpu.memory_space<hbm>> -> memref<384xi32, #tpu.memory_space<hbm>>
          %dma_wait3A_49 = tpu.memref_slice %arg3[%add3A_42] : memref<393216xi32, #tpu.memory_space<hbm>> -> memref<384xi32, #tpu.memory_space<hbm>>
          tpu.wait_dma2 semaphore(%run_scoped3A : memref<!tpu.dma_semaphore, #tpu.memory_space<semaphore_mem>>) src(%dma_wait3A_49 : memref<384xi32, #tpu.memory_space<hbm>>) dst(%arg5 : memref<384xi32, #tpu.memory_space<vmem>>)
          tpu.yield
        }) : () -> ()
        %dma_start3A_43 = arith.constant 0 : i32
        %dma_start3A_44 = arith.constant 0 : i32
        %dma_start3A_45 = tpu.memref_slice %arg2[%dma_start3A_43, %dma_start3A_44] : memref<98304x128xf32, #tpu.memory_space<hbm>> -> memref<98304x128xf32, #tpu.memory_space<hbm>>
        tpu.enqueue_indirect_dma source(%dma_start3A_45 : memref<98304x128xf32, #tpu.memory_space<hbm>>) target(%arg7 : memref<384x128xf32, #tpu.memory_space<vmem>>) offsets(%arg5 : memref<384xi32, #tpu.memory_space<vmem>>) semaphore(%arg9 : memref<!tpu.dma_semaphore, #tpu.memory_space<semaphore_mem>>)
      } else {
      }
      %dma_wait3A_30 = arith.constant 0 : i32
      %dma_wait3A_31 = arith.constant 0 : i32
      %dma_wait3A_32 = tpu.memref_slice %arg2[%dma_wait3A_30, %dma_wait3A_31] : memref<98304x128xf32, #tpu.memory_space<hbm>> -> memref<98304x128xf32, #tpu.memory_space<hbm>>
      tpu.wait_indirect_dma semaphore(%arg10 : memref<!tpu.dma_semaphore, #tpu.memory_space<semaphore_mem>>) src(%dma_wait3A_32 : memref<98304x128xf32, #tpu.memory_space<hbm>>) dst(%arg8 : memref<384x128xf32, #tpu.memory_space<vmem>>)
      %add3A_33 = arith.constant 1 : i32
      %add3A_34 = arith.addi %mul3A_12, %add3A_33 : i32
      %mul3A_35 = arith.constant 384 : i32
      %mul3A_36 = arith.muli %add3A_34, %mul3A_35 : i32
      %add3A_37 = arith.addi %mul3A_2, %mul3A_36 : i32
      "tpu.region"() ({
        %run_scoped3A = tpu.sem_alloc : memref<!tpu.dma_semaphore, #tpu.memory_space<semaphore_mem>>
        %dma_start3A_38 = arith.constant 0 : i32
        %dma_start3A_39 = tpu.memref_slice %arg4[%add3A_37, %dma_start3A_38] : memref<393216x128xf32, #tpu.memory_space<hbm>> -> memref<384x128xf32, #tpu.memory_space<hbm>>
        %dma_start3A_40 = arith.constant 0 : i32
        %dma_start3A_41 = tpu.memref_slice %arg4[%add3A_37, %dma_start3A_40] : memref<393216x128xf32, #tpu.memory_space<hbm>> -> memref<384x128xf32, #tpu.memory_space<hbm>>
        tpu.enqueue_dma source(%arg8 : memref<384x128xf32, #tpu.memory_space<vmem>>) target(%dma_start3A_41 : memref<384x128xf32, #tpu.memory_space<hbm>>) target_semaphore(%run_scoped3A : memref<!tpu.dma_semaphore, #tpu.memory_space<semaphore_mem>>)
        %dma_wait3A_42 = arith.constant 0 : i32
        %dma_wait3A_43 = tpu.memref_slice %arg4[%add3A_37, %dma_wait3A_42] : memref<393216x128xf32, #tpu.memory_space<hbm>> -> memref<384x128xf32, #tpu.memory_space<hbm>>
        %dma_wait3A_44 = arith.constant 0 : i32
        %dma_wait3A_45 = tpu.memref_slice %arg4[%add3A_37, %dma_wait3A_44] : memref<393216x128xf32, #tpu.memory_space<hbm>> -> memref<384x128xf32, #tpu.memory_space<hbm>>
        tpu.wait_dma2 semaphore(%run_scoped3A : memref<!tpu.dma_semaphore, #tpu.memory_space<semaphore_mem>>) src(%arg8 : memref<384x128xf32, #tpu.memory_space<vmem>>) dst(%dma_wait3A_45 : memref<384x128xf32, #tpu.memory_space<hbm>>)
        tpu.yield
      }) : () -> ()
    }
    %scan3A_9 = arith.constant 16 : i32
    return
  }
}

#map = affine_map<(d0, d1) -> (0, 0)>
#map1 = affine_map<(d0, d1) -> (0)>
module attributes {stable_mosaic.version = 14 : i64} {
  func.func @k(%arg0: i32, %arg1: i32, %arg2: memref<393216x128xf32, #tpu.memory_space<hbm>>, %arg3: memref<393216xi32, #tpu.memory_space<hbm>>, %arg4: memref<393216x128xf32, #tpu.memory_space<hbm>>, %arg5: memref<768xi32, #tpu.memory_space<vmem>>, %arg6: memref<768x128xf32, #tpu.memory_space<vmem>>, %arg7: memref<!tpu.dma_semaphore, #tpu.memory_space<semaphore_mem>>) attributes {dimension_semantics = [#tpu.dimension_semantics<core_parallel>, #tpu.dimension_semantics<subcore_parallel>], iteration_bounds = array<i64: 2, 16>, scalar_prefetch = 0 : i64, scratch_operands = 3 : i64, tpu.core_type = #tpu.core_type<sc_vector_subcore>, window_params = [{transform_indices = #map}, {transform_indices = #map1}, {transform_indices = #map}]} {
    %mul3A = arith.constant 2 : i32
    %mul3A_0 = arith.muli %arg1, %mul3A : i32
    %add3A = arith.addi %mul3A_0, %arg0 : i32
    %mul3A_1 = arith.constant 12288 : i32
    %mul3A_2 = arith.muli %add3A, %mul3A_1 : i32
    %scan3A = arith.constant 0 : i32
    %scan3A_3 = arith.constant 0 : i32
    %scan3A_4 = arith.constant 16 : i32
    %scan3A_5 = arith.addi %scan3A_3, %scan3A_4 : i32
    %scan3A_6 = arith.constant 1 : i32
    scf.for %scan3A_8 = %scan3A_3 to %scan3A_5 step %scan3A_6  : i32 {
      %mul3A_9 = arith.constant 768 : i32
      %mul3A_10 = arith.muli %scan3A_8, %mul3A_9 : i32
      %add3A_11 = arith.addi %mul3A_2, %mul3A_10 : i32
      "tpu.region"() ({
        %run_scoped3A = tpu.sem_alloc : memref<!tpu.dma_semaphore, #tpu.memory_space<semaphore_mem>>
        %dma_start3A_16 = tpu.memref_slice %arg3[%add3A_11] : memref<393216xi32, #tpu.memory_space<hbm>> -> memref<768xi32, #tpu.memory_space<hbm>>
        %dma_start3A_17 = tpu.memref_slice %arg3[%add3A_11] : memref<393216xi32, #tpu.memory_space<hbm>> -> memref<768xi32, #tpu.memory_space<hbm>>
        tpu.enqueue_dma source(%dma_start3A_17 : memref<768xi32, #tpu.memory_space<hbm>>) target(%arg5 : memref<768xi32, #tpu.memory_space<vmem>>) target_semaphore(%run_scoped3A : memref<!tpu.dma_semaphore, #tpu.memory_space<semaphore_mem>>)
        %dma_wait3A_18 = tpu.memref_slice %arg3[%add3A_11] : memref<393216xi32, #tpu.memory_space<hbm>> -> memref<768xi32, #tpu.memory_space<hbm>>
        %dma_wait3A_19 = tpu.memref_slice %arg3[%add3A_11] : memref<393216xi32, #tpu.memory_space<hbm>> -> memref<768xi32, #tpu.memory_space<hbm>>
        tpu.wait_dma2 semaphore(%run_scoped3A : memref<!tpu.dma_semaphore, #tpu.memory_space<semaphore_mem>>) src(%dma_wait3A_19 : memref<768xi32, #tpu.memory_space<hbm>>) dst(%arg5 : memref<768xi32, #tpu.memory_space<vmem>>)
        tpu.yield
      }) : () -> ()
      "tpu.region"() ({
        %run_scoped3A = tpu.sem_alloc : memref<!tpu.dma_semaphore, #tpu.memory_space<semaphore_mem>>
        %dma_start3A_16 = arith.constant 0 : i32
        %dma_start3A_17 = tpu.memref_slice %arg2[%add3A_11, %dma_start3A_16] : memref<393216x128xf32, #tpu.memory_space<hbm>> -> memref<768x128xf32, #tpu.memory_space<hbm>>
        %dma_start3A_18 = arith.constant 0 : i32
        %dma_start3A_19 = tpu.memref_slice %arg2[%add3A_11, %dma_start3A_18] : memref<393216x128xf32, #tpu.memory_space<hbm>> -> memref<768x128xf32, #tpu.memory_space<hbm>>
        tpu.enqueue_dma source(%dma_start3A_19 : memref<768x128xf32, #tpu.memory_space<hbm>>) target(%arg6 : memref<768x128xf32, #tpu.memory_space<vmem>>) target_semaphore(%run_scoped3A : memref<!tpu.dma_semaphore, #tpu.memory_space<semaphore_mem>>)
        %dma_wait3A_20 = arith.constant 0 : i32
        %dma_wait3A_21 = tpu.memref_slice %arg2[%add3A_11, %dma_wait3A_20] : memref<393216x128xf32, #tpu.memory_space<hbm>> -> memref<768x128xf32, #tpu.memory_space<hbm>>
        %dma_wait3A_22 = arith.constant 0 : i32
        %dma_wait3A_23 = tpu.memref_slice %arg2[%add3A_11, %dma_wait3A_22] : memref<393216x128xf32, #tpu.memory_space<hbm>> -> memref<768x128xf32, #tpu.memory_space<hbm>>
        tpu.wait_dma2 semaphore(%run_scoped3A : memref<!tpu.dma_semaphore, #tpu.memory_space<semaphore_mem>>) src(%dma_wait3A_23 : memref<768x128xf32, #tpu.memory_space<hbm>>) dst(%arg6 : memref<768x128xf32, #tpu.memory_space<vmem>>)
        tpu.yield
      }) : () -> ()
      %dma_start3A = arith.constant 0 : i32
      %dma_start3A_12 = arith.constant 0 : i32
      %dma_start3A_13 = tpu.memref_slice %arg4[%dma_start3A, %dma_start3A_12] : memref<393216x128xf32, #tpu.memory_space<hbm>> -> memref<393216x128xf32, #tpu.memory_space<hbm>>
      tpu.enqueue_indirect_dma source(%arg6 : memref<768x128xf32, #tpu.memory_space<vmem>>) target(%dma_start3A_13 : memref<393216x128xf32, #tpu.memory_space<hbm>>) offsets(%arg5 : memref<768xi32, #tpu.memory_space<vmem>>) semaphore(%arg7 : memref<!tpu.dma_semaphore, #tpu.memory_space<semaphore_mem>>)
      %dma_wait3A = arith.constant 0 : i32
      %dma_wait3A_14 = arith.constant 0 : i32
      %dma_wait3A_15 = tpu.memref_slice %arg4[%dma_wait3A, %dma_wait3A_14] : memref<393216x128xf32, #tpu.memory_space<hbm>> -> memref<393216x128xf32, #tpu.memory_space<hbm>>
      tpu.wait_indirect_dma semaphore(%arg7 : memref<!tpu.dma_semaphore, #tpu.memory_space<semaphore_mem>>) src(%arg6 : memref<768x128xf32, #tpu.memory_space<vmem>>) dst(%dma_wait3A_15 : memref<393216x128xf32, #tpu.memory_space<hbm>>)
    }
    %scan3A_7 = arith.constant 16 : i32
    return
  }
}

module attributes {stable_mosaic.version = 14 : i64} {
  func.func @_proj_hash_body(%arg0: i32, %arg1: memref<512x768xf32, #tpu.memory_space<vmem>>, %arg2: memref<768x768xf32, #tpu.memory_space<vmem>>, %arg3: memref<768x768xf32, #tpu.memory_space<vmem>>, %arg4: memref<64x512xf32, #tpu.memory_space<vmem>>, %arg5: memref<512x4xf32, #tpu.memory_space<vmem>>, %arg6: memref<512x1536xf32, #tpu.memory_space<vmem>>, %arg7: memref<512x48xi32, #tpu.memory_space<vmem>>) attributes {dimension_semantics = [#tpu.dimension_semantics<arbitrary>], iteration_bounds = array<i64: 16>, scalar_prefetch = 0 : i64, scratch_operands = 0 : i64, tpu.core_type = #tpu.core_type<tc>, window_params = [{transform_indices = @transform_0, window_bounds = array<i64: 512, 768>}, {pipeline_mode = #tpu.pipeline_mode<synchronous>, transform_indices = @transform_1, window_bounds = array<i64: 768, 768>}, {pipeline_mode = #tpu.pipeline_mode<synchronous>, transform_indices = @transform_2, window_bounds = array<i64: 768, 768>}, {pipeline_mode = #tpu.pipeline_mode<synchronous>, transform_indices = @transform_3, window_bounds = array<i64: 64, 512>}, {pipeline_mode = #tpu.pipeline_mode<synchronous>, transform_indices = @transform_4, window_bounds = array<i64: 512, 4>}, {transform_indices = @transform_5, window_bounds = array<i64: 512, 1536>}, {transform_indices = @transform_6, window_bounds = array<i64: 512, 48>}]} {
    %get3A = arith.constant 0 : index
    %get3A_0 = arith.constant 0 : index
    %get3A_1 = vector.load %arg1[%get3A, %get3A_0] : memref<512x768xf32, #tpu.memory_space<vmem>>, vector<512x768xf32>
    %get3A_2 = arith.constant 0 : index
    %get3A_3 = arith.constant 0 : index
    %get3A_4 = vector.load %arg2[%get3A_2, %get3A_3] : memref<768x768xf32, #tpu.memory_space<vmem>>, vector<768x768xf32>
    %dot_general3A = arith.constant dense<0.000000e+00> : vector<512x768xf32>
    %dot_general3A_5 = tpu.matmul %get3A_1, %get3A_4, %dot_general3A {dimension_numbers = #tpu.dot_dimension_numbers<[1], [0], [0], [1], [0, 0, 1, 1], [], []>, transpose_lhs_hint = false} : vector<512x768xf32>, vector<768x768xf32>, vector<512x768xf32> -> vector<512x768xf32>
    %get3A_6 = arith.constant 0 : index
    %get3A_7 = arith.constant 0 : index
    %get3A_8 = vector.load %arg3[%get3A_6, %get3A_7] : memref<768x768xf32, #tpu.memory_space<vmem>>, vector<768x768xf32>
    %dot_general3A_9 = arith.constant dense<0.000000e+00> : vector<512x768xf32>
    %dot_general3A_10 = tpu.matmul %get3A_1, %get3A_8, %dot_general3A_9 {dimension_numbers = #tpu.dot_dimension_numbers<[1], [0], [0], [1], [0, 0, 1, 1], [], []>, transpose_lhs_hint = false} : vector<512x768xf32>, vector<768x768xf32>, vector<512x768xf32> -> vector<512x768xf32>
    %mul3A = arith.constant 512 : i32
    %mul3A_11 = arith.muli %arg0, %mul3A : i32
    %iota3A = tpu.iota {dimensions = array<i32: 0>} : vector<512x1xi32>
    %add3A = vector.broadcast %mul3A_11 : i32 to vector<512x1xi32>
    %add3A_12 = arith.addi %add3A, %iota3A : vector<512x1xi32>
    %slice3A = vector.extract_strided_slice %dot_general3A_5 {offsets = [0, 0], sizes = [512, 64], strides = [1, 1]} : vector<512x768xf32> to vector<512x64xf32>
    %swap3A = arith.constant 0 : index
    %swap3A_13 = arith.constant 0 : index
    %swap3A_14 = vector.load %arg6[%swap3A, %swap3A_13] : memref<512x1536xf32, #tpu.memory_space<vmem>>, vector<512x64xf32>
    tpu.vector_store %arg6[%swap3A, %swap3A_13], %slice3A {strides = array<i32>} : memref<512x1536xf32, #tpu.memory_space<vmem>>, vector<512x64xf32>,
    %slice3A_15 = vector.extract_strided_slice %dot_general3A_10 {offsets = [0, 0], sizes = [512, 64], strides = [1, 1]} : vector<512x768xf32> to vector<512x64xf32>
    %swap3A_16 = arith.constant 0 : index
    %swap3A_17 = arith.constant 64 : index
    %swap3A_18 = vector.load %arg6[%swap3A_16, %swap3A_17] : memref<512x1536xf32, #tpu.memory_space<vmem>>, vector<512x64xf32>
    tpu.vector_store %arg6[%swap3A_16, %swap3A_17], %slice3A_15 {strides = array<i32>} : memref<512x1536xf32, #tpu.memory_space<vmem>>, vector<512x64xf32>,
    %get3A_19 = arith.constant 0 : index
    %get3A_20 = arith.constant 0 : index
    %get3A_21 = vector.load %arg4[%get3A_19, %get3A_20] : memref<64x512xf32, #tpu.memory_space<vmem>>, vector<64x512xf32>
    %dot_general3A_22 = arith.constant dense<0.000000e+00> : vector<512x512xf32>
    %dot_general3A_23 = tpu.matmul %slice3A, %get3A_21, %dot_general3A_22 {dimension_numbers = #tpu.dot_dimension_numbers<[1], [0], [0], [1], [0, 0, 1, 1], [], []>, transpose_lhs_hint = false} : vector<512x64xf32>, vector<64x512xf32>, vector<512x512xf32> -> vector<512x512xf32>
    %slice3A_24 = vector.extract_strided_slice %dot_general3A_23 {offsets = [0, 0], sizes = [512, 128], strides = [1, 1]} : vector<512x512xf32> to vector<512x128xf32>
    %slice3A_25 = vector.extract_strided_slice %dot_general3A_23 {offsets = [0, 0], sizes = [512, 128], strides = [1, 1]} : vector<512x512xf32> to vector<512x128xf32>
    %reduce_max3A = arith.constant dense<0xFF800000> : vector<512xf32>
    %reduce_max3A_26 = vector.multi_reduction <maximumf>, %slice3A_25, %reduce_max3A [1] : vector<512x128xf32> to vector<512xf32>
    %broadcast_in_dim3A = vector.shape_cast %reduce_max3A_26 : vector<512xf32> to vector<512x1xf32>
    %ge3A = vector.broadcast %broadcast_in_dim3A : vector<512x1xf32> to vector<512x128xf32>
    %ge3A_27 = arith.cmpf oge, %slice3A_24, %ge3A : vector<512x128xf32>
    %convert_element_type3A = arith.extui %ge3A_27 : vector<512x128xi1> to vector<512x128xi32>
    %convert_element_type3A_28 = arith.sitofp %convert_element_type3A : vector<512x128xi32> to vector<512x128xf32>
    %slice3A_29 = vector.extract_strided_slice %dot_general3A_23 {offsets = [0, 128], sizes = [512, 128], strides = [1, 1]} : vector<512x512xf32> to vector<512x128xf32>
    %slice3A_30 = vector.extract_strided_slice %dot_general3A_23 {offsets = [0, 128], sizes = [512, 128], strides = [1, 1]} : vector<512x512xf32> to vector<512x128xf32>
    %reduce_max3A_31 = arith.constant dense<0xFF800000> : vector<512xf32>
    %reduce_max3A_32 = vector.multi_reduction <maximumf>, %slice3A_30, %reduce_max3A_31 [1] : vector<512x128xf32> to vector<512xf32>
    %broadcast_in_dim3A_33 = vector.shape_cast %reduce_max3A_32 : vector<512xf32> to vector<512x1xf32>
    %ge3A_34 = vector.broadcast %broadcast_in_dim3A_33 : vector<512x1xf32> to vector<512x128xf32>
    %ge3A_35 = arith.cmpf oge, %slice3A_29, %ge3A_34 : vector<512x128xf32>
    %convert_element_type3A_36 = arith.extui %ge3A_35 : vector<512x128xi1> to vector<512x128xi32>
    %convert_element_type3A_37 = arith.sitofp %convert_element_type3A_36 : vector<512x128xi32> to vector<512x128xf32>
    %slice3A_38 = vector.extract_strided_slice %dot_general3A_23 {offsets = [0, 256], sizes = [512, 128], strides = [1, 1]} : vector<512x512xf32> to vector<512x128xf32>
    %slice3A_39 = vector.extract_strided_slice %dot_general3A_23 {offsets = [0, 256], sizes = [512, 128], strides = [1, 1]} : vector<512x512xf32> to vector<512x128xf32>
    %reduce_max3A_40 = arith.constant dense<0xFF800000> : vector<512xf32>
    %reduce_max3A_41 = vector.multi_reduction <maximumf>, %slice3A_39, %reduce_max3A_40 [1] : vector<512x128xf32> to vector<512xf32>
    %broadcast_in_dim3A_42 = vector.shape_cast %reduce_max3A_41 : vector<512xf32> to vector<512x1xf32>
    %ge3A_43 = vector.broadcast %broadcast_in_dim3A_42 : vector<512x1xf32> to vector<512x128xf32>
    %ge3A_44 = arith.cmpf oge, %slice3A_38, %ge3A_43 : vector<512x128xf32>
    %convert_element_type3A_45 = arith.extui %ge3A_44 : vector<512x128xi1> to vector<512x128xi32>
    %convert_element_type3A_46 = arith.sitofp %convert_element_type3A_45 : vector<512x128xi32> to vector<512x128xf32>
    %slice3A_47 = vector.extract_strided_slice %dot_general3A_23 {offsets = [0, 384], sizes = [512, 128], strides = [1, 1]} : vector<512x512xf32> to vector<512x128xf32>
    %slice3A_48 = vector.extract_strided_slice %dot_general3A_23 {offsets = [0, 384], sizes = [512, 128], strides = [1, 1]} : vector<512x512xf32> to vector<512x128xf32>
    %reduce_max3A_49 = arith.constant dense<0xFF800000> : vector<512xf32>
    %reduce_max3A_50 = vector.multi_reduction <maximumf>, %slice3A_48, %reduce_max3A_49 [1] : vector<512x128xf32> to vector<512xf32>
    %broadcast_in_dim3A_51 = vector.shape_cast %reduce_max3A_50 : vector<512xf32> to vector<512x1xf32>
    %ge3A_52 = vector.broadcast %broadcast_in_dim3A_51 : vector<512x1xf32> to vector<512x128xf32>
    %ge3A_53 = arith.cmpf oge, %slice3A_47, %ge3A_52 : vector<512x128xf32>
    %convert_element_type3A_54 = arith.extui %ge3A_53 : vector<512x128xi1> to vector<512x128xi32>
    %convert_element_type3A_55 = arith.sitofp %convert_element_type3A_54 : vector<512x128xi32> to vector<512x128xf32>
    %concatenate3A = tpu.concatenate %convert_element_type3A_28, %convert_element_type3A_37, %convert_element_type3A_46, %convert_element_type3A_55 in 1 : vector<512x128xf32>, vector<512x128xf32>, vector<512x128xf32>, vector<512x128xf32> -> vector<512x512xf32>
    %get3A_56 = arith.constant 0 : index
    %get3A_57 = arith.constant 0 : index
    %get3A_58 = vector.load %arg5[%get3A_56, %get3A_57] : memref<512x4xf32, #tpu.memory_space<vmem>>, vector<512x4xf32>
    %dot_general3A_59 = arith.constant dense<0.000000e+00> : vector<512x4xf32>
    %dot_general3A_60 = tpu.matmul %concatenate3A, %get3A_58, %dot_general3A_59 {dimension_numbers = #tpu.dot_dimension_numbers<[1], [0], [0], [1], [0, 0, 1, 1], [], []>, transpose_lhs_hint = false} : vector<512x512xf32>, vector<512x4xf32>, vector<512x4xf32> -> vector<512x4xf32>
    %convert_element_type3A_61 = arith.fptosi %dot_general3A_60 : vector<512x4xf32> to vector<512x4xi32>
    %mul3A_62 = arith.constant 8192 : i32
    %mul3A_63 = vector.broadcast %mul3A_62 : i32 to vector<512x4xi32>
    %mul3A_64 = arith.muli %convert_element_type3A_61, %mul3A_63 : vector<512x4xi32>
    %add3A_65 = vector.broadcast %add3A_12 : vector<512x1xi32> to vector<512x4xi32>
    %add3A_66 = arith.addi %mul3A_64, %add3A_65 : vector<512x4xi32>
    %swap3A_67 = arith.constant 0 : index
    %swap3A_68 = arith.constant 0 : index
    %swap3A_69 = vector.load %arg7[%swap3A_67, %swap3A_68] : memref<512x48xi32, #tpu.memory_space<vmem>>, vector<512x4xi32>
    tpu.vector_store %arg7[%swap3A_67, %swap3A_68], %add3A_66 {strides = array<i32>} : memref<512x48xi32, #tpu.memory_space<vmem>>, vector<512x4xi32>,
    %slice3A_70 = vector.extract_strided_slice %dot_general3A_5 {offsets = [0, 64], sizes = [512, 64], strides = [1, 1]} : vector<512x768xf32> to vector<512x64xf32>
    %swap3A_71 = arith.constant 0 : index
    %swap3A_72 = arith.constant 128 : index
    %swap3A_73 = vector.load %arg6[%swap3A_71, %swap3A_72] : memref<512x1536xf32, #tpu.memory_space<vmem>>, vector<512x64xf32>
    tpu.vector_store %arg6[%swap3A_71, %swap3A_72], %slice3A_70 {strides = array<i32>} : memref<512x1536xf32, #tpu.memory_space<vmem>>, vector<512x64xf32>,
    %slice3A_74 = vector.extract_strided_slice %dot_general3A_10 {offsets = [0, 64], sizes = [512, 64], strides = [1, 1]} : vector<512x768xf32> to vector<512x64xf32>
    %swap3A_75 = arith.constant 0 : index
    %swap3A_76 = arith.constant 192 : index
    %swap3A_77 = vector.load %arg6[%swap3A_75, %swap3A_76] : memref<512x1536xf32, #tpu.memory_space<vmem>>, vector<512x64xf32>
    tpu.vector_store %arg6[%swap3A_75, %swap3A_76], %slice3A_74 {strides = array<i32>} : memref<512x1536xf32, #tpu.memory_space<vmem>>, vector<512x64xf32>,
    %get3A_78 = arith.constant 0 : index
    %get3A_79 = arith.constant 0 : index
    %get3A_80 = vector.load %arg4[%get3A_78, %get3A_79] : memref<64x512xf32, #tpu.memory_space<vmem>>, vector<64x512xf32>
    %dot_general3A_81 = arith.constant dense<0.000000e+00> : vector<512x512xf32>
    %dot_general3A_82 = tpu.matmul %slice3A_70, %get3A_80, %dot_general3A_81 {dimension_numbers = #tpu.dot_dimension_numbers<[1], [0], [0], [1], [0, 0, 1, 1], [], []>, transpose_lhs_hint = false} : vector<512x64xf32>, vector<64x512xf32>, vector<512x512xf32> -> vector<512x512xf32>
    %slice3A_83 = vector.extract_strided_slice %dot_general3A_82 {offsets = [0, 0], sizes = [512, 128], strides = [1, 1]} : vector<512x512xf32> to vector<512x128xf32>
    %slice3A_84 = vector.extract_strided_slice %dot_general3A_82 {offsets = [0, 0], sizes = [512, 128], strides = [1, 1]} : vector<512x512xf32> to vector<512x128xf32>
    %reduce_max3A_85 = arith.constant dense<0xFF800000> : vector<512xf32>
    %reduce_max3A_86 = vector.multi_reduction <maximumf>, %slice3A_84, %reduce_max3A_85 [1] : vector<512x128xf32> to vector<512xf32>
    %broadcast_in_dim3A_87 = vector.shape_cast %reduce_max3A_86 : vector<512xf32> to vector<512x1xf32>
    %ge3A_88 = vector.broadcast %broadcast_in_dim3A_87 : vector<512x1xf32> to vector<512x128xf32>
    %ge3A_89 = arith.cmpf oge, %slice3A_83, %ge3A_88 : vector<512x128xf32>
    %convert_element_type3A_90 = arith.extui %ge3A_89 : vector<512x128xi1> to vector<512x128xi32>
    %convert_element_type3A_91 = arith.sitofp %convert_element_type3A_90 : vector<512x128xi32> to vector<512x128xf32>
    %slice3A_92 = vector.extract_strided_slice %dot_general3A_82 {offsets = [0, 128], sizes = [512, 128], strides = [1, 1]} : vector<512x512xf32> to vector<512x128xf32>
    %slice3A_93 = vector.extract_strided_slice %dot_general3A_82 {offsets = [0, 128], sizes = [512, 128], strides = [1, 1]} : vector<512x512xf32> to vector<512x128xf32>
    %reduce_max3A_94 = arith.constant dense<0xFF800000> : vector<512xf32>
    %reduce_max3A_95 = vector.multi_reduction <maximumf>, %slice3A_93, %reduce_max3A_94 [1] : vector<512x128xf32> to vector<512xf32>
    %broadcast_in_dim3A_96 = vector.shape_cast %reduce_max3A_95 : vector<512xf32> to vector<512x1xf32>
    %ge3A_97 = vector.broadcast %broadcast_in_dim3A_96 : vector<512x1xf32> to vector<512x128xf32>
    %ge3A_98 = arith.cmpf oge, %slice3A_92, %ge3A_97 : vector<512x128xf32>
    %convert_element_type3A_99 = arith.extui %ge3A_98 : vector<512x128xi1> to vector<512x128xi32>
    %convert_element_type3A_100 = arith.sitofp %convert_element_type3A_99 : vector<512x128xi32> to vector<512x128xf32>
    %slice3A_101 = vector.extract_strided_slice %dot_general3A_82 {offsets = [0, 256], sizes = [512, 128], strides = [1, 1]} : vector<512x512xf32> to vector<512x128xf32>
    %slice3A_102 = vector.extract_strided_slice %dot_general3A_82 {offsets = [0, 256], sizes = [512, 128], strides = [1, 1]} : vector<512x512xf32> to vector<512x128xf32>
    %reduce_max3A_103 = arith.constant dense<0xFF800000> : vector<512xf32>
    %reduce_max3A_104 = vector.multi_reduction <maximumf>, %slice3A_102, %reduce_max3A_103 [1] : vector<512x128xf32> to vector<512xf32>
    %broadcast_in_dim3A_105 = vector.shape_cast %reduce_max3A_104 : vector<512xf32> to vector<512x1xf32>
    %ge3A_106 = vector.broadcast %broadcast_in_dim3A_105 : vector<512x1xf32> to vector<512x128xf32>
    %ge3A_107 = arith.cmpf oge, %slice3A_101, %ge3A_106 : vector<512x128xf32>
    %convert_element_type3A_108 = arith.extui %ge3A_107 : vector<512x128xi1> to vector<512x128xi32>
    %convert_element_type3A_109 = arith.sitofp %convert_element_type3A_108 : vector<512x128xi32> to vector<512x128xf32>
    %slice3A_110 = vector.extract_strided_slice %dot_general3A_82 {offsets = [0, 384], sizes = [512, 128], strides = [1, 1]} : vector<512x512xf32> to vector<512x128xf32>
    %slice3A_111 = vector.extract_strided_slice %dot_general3A_82 {offsets = [0, 384], sizes = [512, 128], strides = [1, 1]} : vector<512x512xf32> to vector<512x128xf32>
    %reduce_max3A_112 = arith.constant dense<0xFF800000> : vector<512xf32>
    %reduce_max3A_113 = vector.multi_reduction <maximumf>, %slice3A_111, %reduce_max3A_112 [1] : vector<512x128xf32> to vector<512xf32>
    %broadcast_in_dim3A_114 = vector.shape_cast %reduce_max3A_113 : vector<512xf32> to vector<512x1xf32>
    %ge3A_115 = vector.broadcast %broadcast_in_dim3A_114 : vector<512x1xf32> to vector<512x128xf32>
    %ge3A_116 = arith.cmpf oge, %slice3A_110, %ge3A_115 : vector<512x128xf32>
    %convert_element_type3A_117 = arith.extui %ge3A_116 : vector<512x128xi1> to vector<512x128xi32>
    %convert_element_type3A_118 = arith.sitofp %convert_element_type3A_117 : vector<512x128xi32> to vector<512x128xf32>
    %concatenate3A_119 = tpu.concatenate %convert_element_type3A_91, %convert_element_type3A_100, %convert_element_type3A_109, %convert_element_type3A_118 in 1 : vector<512x128xf32>, vector<512x128xf32>, vector<512x128xf32>, vector<512x128xf32> -> vector<512x512xf32>
    %get3A_120 = arith.constant 0 : index
    %get3A_121 = arith.constant 0 : index
    %get3A_122 = vector.load %arg5[%get3A_120, %get3A_121] : memref<512x4xf32, #tpu.memory_space<vmem>>, vector<512x4xf32>
    %dot_general3A_123 = arith.constant dense<0.000000e+00> : vector<512x4xf32>
    %dot_general3A_124 = tpu.matmul %concatenate3A_119, %get3A_122, %dot_general3A_123 {dimension_numbers = #tpu.dot_dimension_numbers<[1], [0], [0], [1], [0, 0, 1, 1], [], []>, transpose_lhs_hint = false} : vector<512x512xf32>, vector<512x4xf32>, vector<512x4xf32> -> vector<512x4xf32>
    %convert_element_type3A_125 = arith.fptosi %dot_general3A_124 : vector<512x4xf32> to vector<512x4xi32>
    %mul3A_126 = arith.constant 8192 : i32
    %mul3A_127 = vector.broadcast %mul3A_126 : i32 to vector<512x4xi32>
    %mul3A_128 = arith.muli %convert_element_type3A_125, %mul3A_127 : vector<512x4xi32>
    %add3A_129 = vector.broadcast %add3A_12 : vector<512x1xi32> to vector<512x4xi32>
    %add3A_130 = arith.addi %mul3A_128, %add3A_129 : vector<512x4xi32>
    %swap3A_131 = arith.constant 0 : index
    %swap3A_132 = arith.constant 4 : index
    %swap3A_133 = vector.load %arg7[%swap3A_131, %swap3A_132] : memref<512x48xi32, #tpu.memory_space<vmem>>, vector<512x4xi32>
    tpu.vector_store %arg7[%swap3A_131, %swap3A_132], %add3A_130 {strides = array<i32>} : memref<512x48xi32, #tpu.memory_space<vmem>>, vector<512x4xi32>,
    %slice3A_134 = vector.extract_strided_slice %dot_general3A_5 {offsets = [0, 128], sizes = [512, 64], strides = [1, 1]} : vector<512x768xf32> to vector<512x64xf32>
    %swap3A_135 = arith.constant 0 : index
    %swap3A_136 = arith.constant 256 : index
    %swap3A_137 = vector.load %arg6[%swap3A_135, %swap3A_136] : memref<512x1536xf32, #tpu.memory_space<vmem>>, vector<512x64xf32>
    tpu.vector_store %arg6[%swap3A_135, %swap3A_136], %slice3A_134 {strides = array<i32>} : memref<512x1536xf32, #tpu.memory_space<vmem>>, vector<512x64xf32>,
    %slice3A_138 = vector.extract_strided_slice %dot_general3A_10 {offsets = [0, 128], sizes = [512, 64], strides = [1, 1]} : vector<512x768xf32> to vector<512x64xf32>
    %swap3A_139 = arith.constant 0 : index
    %swap3A_140 = arith.constant 320 : index
    %swap3A_141 = vector.load %arg6[%swap3A_139, %swap3A_140] : memref<512x1536xf32, #tpu.memory_space<vmem>>, vector<512x64xf32>
    tpu.vector_store %arg6[%swap3A_139, %swap3A_140], %slice3A_138 {strides = array<i32>} : memref<512x1536xf32, #tpu.memory_space<vmem>>, vector<512x64xf32>,
    %get3A_142 = arith.constant 0 : index
    %get3A_143 = arith.constant 0 : index
    %get3A_144 = vector.load %arg4[%get3A_142, %get3A_143] : memref<64x512xf32, #tpu.memory_space<vmem>>, vector<64x512xf32>
    %dot_general3A_145 = arith.constant dense<0.000000e+00> : vector<512x512xf32>
    %dot_general3A_146 = tpu.matmul %slice3A_134, %get3A_144, %dot_general3A_145 {dimension_numbers = #tpu.dot_dimension_numbers<[1], [0], [0], [1], [0, 0, 1, 1], [], []>, transpose_lhs_hint = false} : vector<512x64xf32>, vector<64x512xf32>, vector<512x512xf32> -> vector<512x512xf32>
    %slice3A_147 = vector.extract_strided_slice %dot_general3A_146 {offsets = [0, 0], sizes = [512, 128], strides = [1, 1]} : vector<512x512xf32> to vector<512x128xf32>
    %slice3A_148 = vector.extract_strided_slice %dot_general3A_146 {offsets = [0, 0], sizes = [512, 128], strides = [1, 1]} : vector<512x512xf32> to vector<512x128xf32>
    %reduce_max3A_149 = arith.constant dense<0xFF800000> : vector<512xf32>
    %reduce_max3A_150 = vector.multi_reduction <maximumf>, %slice3A_148, %reduce_max3A_149 [1] : vector<512x128xf32> to vector<512xf32>
    %broadcast_in_dim3A_151 = vector.shape_cast %reduce_max3A_150 : vector<512xf32> to vector<512x1xf32>
    %ge3A_152 = vector.broadcast %broadcast_in_dim3A_151 : vector<512x1xf32> to vector<512x128xf32>
    %ge3A_153 = arith.cmpf oge, %slice3A_147, %ge3A_152 : vector<512x128xf32>
    %convert_element_type3A_154 = arith.extui %ge3A_153 : vector<512x128xi1> to vector<512x128xi32>
    %convert_element_type3A_155 = arith.sitofp %convert_element_type3A_154 : vector<512x128xi32> to vector<512x128xf32>
    %slice3A_156 = vector.extract_strided_slice %dot_general3A_146 {offsets = [0, 128], sizes = [512, 128], strides = [1, 1]} : vector<512x512xf32> to vector<512x128xf32>
    %slice3A_157 = vector.extract_strided_slice %dot_general3A_146 {offsets = [0, 128], sizes = [512, 128], strides = [1, 1]} : vector<512x512xf32> to vector<512x128xf32>
    %reduce_max3A_158 = arith.constant dense<0xFF800000> : vector<512xf32>
    %reduce_max3A_159 = vector.multi_reduction <maximumf>, %slice3A_157, %reduce_max3A_158 [1] : vector<512x128xf32> to vector<512xf32>
    %broadcast_in_dim3A_160 = vector.shape_cast %reduce_max3A_159 : vector<512xf32> to vector<512x1xf32>
    %ge3A_161 = vector.broadcast %broadcast_in_dim3A_160 : vector<512x1xf32> to vector<512x128xf32>
    %ge3A_162 = arith.cmpf oge, %slice3A_156, %ge3A_161 : vector<512x128xf32>
    %convert_element_type3A_163 = arith.extui %ge3A_162 : vector<512x128xi1> to vector<512x128xi32>
    %convert_element_type3A_164 = arith.sitofp %convert_element_type3A_163 : vector<512x128xi32> to vector<512x128xf32>
    %slice3A_165 = vector.extract_strided_slice %dot_general3A_146 {offsets = [0, 256], sizes = [512, 128], strides = [1, 1]} : vector<512x512xf32> to vector<512x128xf32>
    %slice3A_166 = vector.extract_strided_slice %dot_general3A_146 {offsets = [0, 256], sizes = [512, 128], strides = [1, 1]} : vector<512x512xf32> to vector<512x128xf32>
    %reduce_max3A_167 = arith.constant dense<0xFF800000> : vector<512xf32>
    %reduce_max3A_168 = vector.multi_reduction <maximumf>, %slice3A_166, %reduce_max3A_167 [1] : vector<512x128xf32> to vector<512xf32>
    %broadcast_in_dim3A_169 = vector.shape_cast %reduce_max3A_168 : vector<512xf32> to vector<512x1xf32>
    %ge3A_170 = vector.broadcast %broadcast_in_dim3A_169 : vector<512x1xf32> to vector<512x128xf32>
    %ge3A_171 = arith.cmpf oge, %slice3A_165, %ge3A_170 : vector<512x128xf32>
    %convert_element_type3A_172 = arith.extui %ge3A_171 : vector<512x128xi1> to vector<512x128xi32>
    %convert_element_type3A_173 = arith.sitofp %convert_element_type3A_172 : vector<512x128xi32> to vector<512x128xf32>
    %slice3A_174 = vector.extract_strided_slice %dot_general3A_146 {offsets = [0, 384], sizes = [512, 128], strides = [1, 1]} : vector<512x512xf32> to vector<512x128xf32>
    %slice3A_175 = vector.extract_strided_slice %dot_general3A_146 {offsets = [0, 384], sizes = [512, 128], strides = [1, 1]} : vector<512x512xf32> to vector<512x128xf32>
    %reduce_max3A_176 = arith.constant dense<0xFF800000> : vector<512xf32>
    %reduce_max3A_177 = vector.multi_reduction <maximumf>, %slice3A_175, %reduce_max3A_176 [1] : vector<512x128xf32> to vector<512xf32>
    %broadcast_in_dim3A_178 = vector.shape_cast %reduce_max3A_177 : vector<512xf32> to vector<512x1xf32>
    %ge3A_179 = vector.broadcast %broadcast_in_dim3A_178 : vector<512x1xf32> to vector<512x128xf32>
    %ge3A_180 = arith.cmpf oge, %slice3A_174, %ge3A_179 : vector<512x128xf32>
    %convert_element_type3A_181 = arith.extui %ge3A_180 : vector<512x128xi1> to vector<512x128xi32>
    %convert_element_type3A_182 = arith.sitofp %convert_element_type3A_181 : vector<512x128xi32> to vector<512x128xf32>
    %concatenate3A_183 = tpu.concatenate %convert_element_type3A_155, %convert_element_type3A_164, %convert_element_type3A_173, %convert_element_type3A_182 in 1 : vector<512x128xf32>, vector<512x128xf32>, vector<512x128xf32>, vector<512x128xf32> -> vector<512x512xf32>
    %get3A_184 = arith.constant 0 : index
    %get3A_185 = arith.constant 0 : index
    %get3A_186 = vector.load %arg5[%get3A_184, %get3A_185] : memref<512x4xf32, #tpu.memory_space<vmem>>, vector<512x4xf32>
    %dot_general3A_187 = arith.constant dense<0.000000e+00> : vector<512x4xf32>
    %dot_general3A_188 = tpu.matmul %concatenate3A_183, %get3A_186, %dot_general3A_187 {dimension_numbers = #tpu.dot_dimension_numbers<[1], [0], [0], [1], [0, 0, 1, 1], [], []>, transpose_lhs_hint = false} : vector<512x512xf32>, vector<512x4xf32>, vector<512x4xf32> -> vector<512x4xf32>
    %convert_element_type3A_189 = arith.fptosi %dot_general3A_188 : vector<512x4xf32> to vector<512x4xi32>
    %mul3A_190 = arith.constant 8192 : i32
    %mul3A_191 = vector.broadcast %mul3A_190 : i32 to vector<512x4xi32>
    %mul3A_192 = arith.muli %convert_element_type3A_189, %mul3A_191 : vector<512x4xi32>
    %add3A_193 = vector.broadcast %add3A_12 : vector<512x1xi32> to vector<512x4xi32>
    %add3A_194 = arith.addi %mul3A_192, %add3A_193 : vector<512x4xi32>
    %swap3A_195 = arith.constant 0 : index
    %swap3A_196 = arith.constant 8 : index
    %swap3A_197 = vector.load %arg7[%swap3A_195, %swap3A_196] : memref<512x48xi32, #tpu.memory_space<vmem>>, vector<512x4xi32>
    tpu.vector_store %arg7[%swap3A_195, %swap3A_196], %add3A_194 {strides = array<i32>} : memref<512x48xi32, #tpu.memory_space<vmem>>, vector<512x4xi32>,
    %slice3A_198 = vector.extract_strided_slice %dot_general3A_5 {offsets = [0, 192], sizes = [512, 64], strides = [1, 1]} : vector<512x768xf32> to vector<512x64xf32>
    %swap3A_199 = arith.constant 0 : index
    %swap3A_200 = arith.constant 384 : index
    %swap3A_201 = vector.load %arg6[%swap3A_199, %swap3A_200] : memref<512x1536xf32, #tpu.memory_space<vmem>>, vector<512x64xf32>
    tpu.vector_store %arg6[%swap3A_199, %swap3A_200], %slice3A_198 {strides = array<i32>} : memref<512x1536xf32, #tpu.memory_space<vmem>>, vector<512x64xf32>,
    %slice3A_202 = vector.extract_strided_slice %dot_general3A_10 {offsets = [0, 192], sizes = [512, 64], strides = [1, 1]} : vector<512x768xf32> to vector<512x64xf32>
    %swap3A_203 = arith.constant 0 : index
    %swap3A_204 = arith.constant 448 : index
    %swap3A_205 = vector.load %arg6[%swap3A_203, %swap3A_204] : memref<512x1536xf32, #tpu.memory_space<vmem>>, vector<512x64xf32>
    tpu.vector_store %arg6[%swap3A_203, %swap3A_204], %slice3A_202 {strides = array<i32>} : memref<512x1536xf32, #tpu.memory_space<vmem>>, vector<512x64xf32>,
    %get3A_206 = arith.constant 0 : index
    %get3A_207 = arith.constant 0 : index
    %get3A_208 = vector.load %arg4[%get3A_206, %get3A_207] : memref<64x512xf32, #tpu.memory_space<vmem>>, vector<64x512xf32>
    %dot_general3A_209 = arith.constant dense<0.000000e+00> : vector<512x512xf32>
    %dot_general3A_210 = tpu.matmul %slice3A_198, %get3A_208, %dot_general3A_209 {dimension_numbers = #tpu.dot_dimension_numbers<[1], [0], [0], [1], [0, 0, 1, 1], [], []>, transpose_lhs_hint = false} : vector<512x64xf32>, vector<64x512xf32>, vector<512x512xf32> -> vector<512x512xf32>
    %slice3A_211 = vector.extract_strided_slice %dot_general3A_210 {offsets = [0, 0], sizes = [512, 128], strides = [1, 1]} : vector<512x512xf32> to vector<512x128xf32>
    %slice3A_212 = vector.extract_strided_slice %dot_general3A_210 {offsets = [0, 0], sizes = [512, 128], strides = [1, 1]} : vector<512x512xf32> to vector<512x128xf32>
    %reduce_max3A_213 = arith.constant dense<0xFF800000> : vector<512xf32>
    %reduce_max3A_214 = vector.multi_reduction <maximumf>, %slice3A_212, %reduce_max3A_213 [1] : vector<512x128xf32> to vector<512xf32>
    %broadcast_in_dim3A_215 = vector.shape_cast %reduce_max3A_214 : vector<512xf32> to vector<512x1xf32>
    %ge3A_216 = vector.broadcast %broadcast_in_dim3A_215 : vector<512x1xf32> to vector<512x128xf32>
    %ge3A_217 = arith.cmpf oge, %slice3A_211, %ge3A_216 : vector<512x128xf32>
    %convert_element_type3A_218 = arith.extui %ge3A_217 : vector<512x128xi1> to vector<512x128xi32>
    %convert_element_type3A_219 = arith.sitofp %convert_element_type3A_218 : vector<512x128xi32> to vector<512x128xf32>
    %slice3A_220 = vector.extract_strided_slice %dot_general3A_210 {offsets = [0, 128], sizes = [512, 128], strides = [1, 1]} : vector<512x512xf32> to vector<512x128xf32>
    %slice3A_221 = vector.extract_strided_slice %dot_general3A_210 {offsets = [0, 128], sizes = [512, 128], strides = [1, 1]} : vector<512x512xf32> to vector<512x128xf32>
    %reduce_max3A_222 = arith.constant dense<0xFF800000> : vector<512xf32>
    %reduce_max3A_223 = vector.multi_reduction <maximumf>, %slice3A_221, %reduce_max3A_222 [1] : vector<512x128xf32> to vector<512xf32>
    %broadcast_in_dim3A_224 = vector.shape_cast %reduce_max3A_223 : vector<512xf32> to vector<512x1xf32>
    %ge3A_225 = vector.broadcast %broadcast_in_dim3A_224 : vector<512x1xf32> to vector<512x128xf32>
    %ge3A_226 = arith.cmpf oge, %slice3A_220, %ge3A_225 : vector<512x128xf32>
    %convert_element_type3A_227 = arith.extui %ge3A_226 : vector<512x128xi1> to vector<512x128xi32>
    %convert_element_type3A_228 = arith.sitofp %convert_element_type3A_227 : vector<512x128xi32> to vector<512x128xf32>
    %slice3A_229 = vector.extract_strided_slice %dot_general3A_210 {offsets = [0, 256], sizes = [512, 128], strides = [1, 1]} : vector<512x512xf32> to vector<512x128xf32>
    %slice3A_230 = vector.extract_strided_slice %dot_general3A_210 {offsets = [0, 256], sizes = [512, 128], strides = [1, 1]} : vector<512x512xf32> to vector<512x128xf32>
    %reduce_max3A_231 = arith.constant dense<0xFF800000> : vector<512xf32>
    %reduce_max3A_232 = vector.multi_reduction <maximumf>, %slice3A_230, %reduce_max3A_231 [1] : vector<512x128xf32> to vector<512xf32>
    %broadcast_in_dim3A_233 = vector.shape_cast %reduce_max3A_232 : vector<512xf32> to vector<512x1xf32>
    %ge3A_234 = vector.broadcast %broadcast_in_dim3A_233 : vector<512x1xf32> to vector<512x128xf32>
    %ge3A_235 = arith.cmpf oge, %slice3A_229, %ge3A_234 : vector<512x128xf32>
    %convert_element_type3A_236 = arith.extui %ge3A_235 : vector<512x128xi1> to vector<512x128xi32>
    %convert_element_type3A_237 = arith.sitofp %convert_element_type3A_236 : vector<512x128xi32> to vector<512x128xf32>
    %slice3A_238 = vector.extract_strided_slice %dot_general3A_210 {offsets = [0, 384], sizes = [512, 128], strides = [1, 1]} : vector<512x512xf32> to vector<512x128xf32>
    %slice3A_239 = vector.extract_strided_slice %dot_general3A_210 {offsets = [0, 384], sizes = [512, 128], strides = [1, 1]} : vector<512x512xf32> to vector<512x128xf32>
    %reduce_max3A_240 = arith.constant dense<0xFF800000> : vector<512xf32>
    %reduce_max3A_241 = vector.multi_reduction <maximumf>, %slice3A_239, %reduce_max3A_240 [1] : vector<512x128xf32> to vector<512xf32>
    %broadcast_in_dim3A_242 = vector.shape_cast %reduce_max3A_241 : vector<512xf32> to vector<512x1xf32>
    %ge3A_243 = vector.broadcast %broadcast_in_dim3A_242 : vector<512x1xf32> to vector<512x128xf32>
    %ge3A_244 = arith.cmpf oge, %slice3A_238, %ge3A_243 : vector<512x128xf32>
    %convert_element_type3A_245 = arith.extui %ge3A_244 : vector<512x128xi1> to vector<512x128xi32>
    %convert_element_type3A_246 = arith.sitofp %convert_element_type3A_245 : vector<512x128xi32> to vector<512x128xf32>
    %concatenate3A_247 = tpu.concatenate %convert_element_type3A_219, %convert_element_type3A_228, %convert_element_type3A_237, %convert_element_type3A_246 in 1 : vector<512x128xf32>, vector<512x128xf32>, vector<512x128xf32>, vector<512x128xf32> -> vector<512x512xf32>
    %get3A_248 = arith.constant 0 : index
    %get3A_249 = arith.constant 0 : index
    %get3A_250 = vector.load %arg5[%get3A_248, %get3A_249] : memref<512x4xf32, #tpu.memory_space<vmem>>, vector<512x4xf32>
    %dot_general3A_251 = arith.constant dense<0.000000e+00> : vector<512x4xf32>
    %dot_general3A_252 = tpu.matmul %concatenate3A_247, %get3A_250, %dot_general3A_251 {dimension_numbers = #tpu.dot_dimension_numbers<[1], [0], [0], [1], [0, 0, 1, 1], [], []>, transpose_lhs_hint = false} : vector<512x512xf32>, vector<512x4xf32>, vector<512x4xf32> -> vector<512x4xf32>
    %convert_element_type3A_253 = arith.fptosi %dot_general3A_252 : vector<512x4xf32> to vector<512x4xi32>
    %mul3A_254 = arith.constant 8192 : i32
    %mul3A_255 = vector.broadcast %mul3A_254 : i32 to vector<512x4xi32>
    %mul3A_256 = arith.muli %convert_element_type3A_253, %mul3A_255 : vector<512x4xi32>
    %add3A_257 = vector.broadcast %add3A_12 : vector<512x1xi32> to vector<512x4xi32>
    %add3A_258 = arith.addi %mul3A_256, %add3A_257 : vector<512x4xi32>
    %swap3A_259 = arith.constant 0 : index
    %swap3A_260 = arith.constant 12 : index
    %swap3A_261 = vector.load %arg7[%swap3A_259, %swap3A_260] : memref<512x48xi32, #tpu.memory_space<vmem>>, vector<512x4xi32>
    tpu.vector_store %arg7[%swap3A_259, %swap3A_260], %add3A_258 {strides = array<i32>} : memref<512x48xi32, #tpu.memory_space<vmem>>, vector<512x4xi32>,
    %slice3A_262 = vector.extract_strided_slice %dot_general3A_5 {offsets = [0, 256], sizes = [512, 64], strides = [1, 1]} : vector<512x768xf32> to vector<512x64xf32>
    %swap3A_263 = arith.constant 0 : index
    %swap3A_264 = arith.constant 512 : index
    %swap3A_265 = vector.load %arg6[%swap3A_263, %swap3A_264] : memref<512x1536xf32, #tpu.memory_space<vmem>>, vector<512x64xf32>
    tpu.vector_store %arg6[%swap3A_263, %swap3A_264], %slice3A_262 {strides = array<i32>} : memref<512x1536xf32, #tpu.memory_space<vmem>>, vector<512x64xf32>,
    %slice3A_266 = vector.extract_strided_slice %dot_general3A_10 {offsets = [0, 256], sizes = [512, 64], strides = [1, 1]} : vector<512x768xf32> to vector<512x64xf32>
    %swap3A_267 = arith.constant 0 : index
    %swap3A_268 = arith.constant 576 : index
    %swap3A_269 = vector.load %arg6[%swap3A_267, %swap3A_268] : memref<512x1536xf32, #tpu.memory_space<vmem>>, vector<512x64xf32>
    tpu.vector_store %arg6[%swap3A_267, %swap3A_268], %slice3A_266 {strides = array<i32>} : memref<512x1536xf32, #tpu.memory_space<vmem>>, vector<512x64xf32>,
    %get3A_270 = arith.constant 0 : index
    %get3A_271 = arith.constant 0 : index
    %get3A_272 = vector.load %arg4[%get3A_270, %get3A_271] : memref<64x512xf32, #tpu.memory_space<vmem>>, vector<64x512xf32>
    %dot_general3A_273 = arith.constant dense<0.000000e+00> : vector<512x512xf32>
    %dot_general3A_274 = tpu.matmul %slice3A_262, %get3A_272, %dot_general3A_273 {dimension_numbers = #tpu.dot_dimension_numbers<[1], [0], [0], [1], [0, 0, 1, 1], [], []>, transpose_lhs_hint = false} : vector<512x64xf32>, vector<64x512xf32>, vector<512x512xf32> -> vector<512x512xf32>
    %slice3A_275 = vector.extract_strided_slice %dot_general3A_274 {offsets = [0, 0], sizes = [512, 128], strides = [1, 1]} : vector<512x512xf32> to vector<512x128xf32>
    %slice3A_276 = vector.extract_strided_slice %dot_general3A_274 {offsets = [0, 0], sizes = [512, 128], strides = [1, 1]} : vector<512x512xf32> to vector<512x128xf32>
    %reduce_max3A_277 = arith.constant dense<0xFF800000> : vector<512xf32>
    %reduce_max3A_278 = vector.multi_reduction <maximumf>, %slice3A_276, %reduce_max3A_277 [1] : vector<512x128xf32> to vector<512xf32>
    %broadcast_in_dim3A_279 = vector.shape_cast %reduce_max3A_278 : vector<512xf32> to vector<512x1xf32>
    %ge3A_280 = vector.broadcast %broadcast_in_dim3A_279 : vector<512x1xf32> to vector<512x128xf32>
    %ge3A_281 = arith.cmpf oge, %slice3A_275, %ge3A_280 : vector<512x128xf32>
    %convert_element_type3A_282 = arith.extui %ge3A_281 : vector<512x128xi1> to vector<512x128xi32>
    %convert_element_type3A_283 = arith.sitofp %convert_element_type3A_282 : vector<512x128xi32> to vector<512x128xf32>
    %slice3A_284 = vector.extract_strided_slice %dot_general3A_274 {offsets = [0, 128], sizes = [512, 128], strides = [1, 1]} : vector<512x512xf32> to vector<512x128xf32>
    %slice3A_285 = vector.extract_strided_slice %dot_general3A_274 {offsets = [0, 128], sizes = [512, 128], strides = [1, 1]} : vector<512x512xf32> to vector<512x128xf32>
    %reduce_max3A_286 = arith.constant dense<0xFF800000> : vector<512xf32>
    %reduce_max3A_287 = vector.multi_reduction <maximumf>, %slice3A_285, %reduce_max3A_286 [1] : vector<512x128xf32> to vector<512xf32>
    %broadcast_in_dim3A_288 = vector.shape_cast %reduce_max3A_287 : vector<512xf32> to vector<512x1xf32>
    %ge3A_289 = vector.broadcast %broadcast_in_dim3A_288 : vector<512x1xf32> to vector<512x128xf32>
    %ge3A_290 = arith.cmpf oge, %slice3A_284, %ge3A_289 : vector<512x128xf32>
    %convert_element_type3A_291 = arith.extui %ge3A_290 : vector<512x128xi1> to vector<512x128xi32>
    %convert_element_type3A_292 = arith.sitofp %convert_element_type3A_291 : vector<512x128xi32> to vector<512x128xf32>
    %slice3A_293 = vector.extract_strided_slice %dot_general3A_274 {offsets = [0, 256], sizes = [512, 128], strides = [1, 1]} : vector<512x512xf32> to vector<512x128xf32>
    %slice3A_294 = vector.extract_strided_slice %dot_general3A_274 {offsets = [0, 256], sizes = [512, 128], strides = [1, 1]} : vector<512x512xf32> to vector<512x128xf32>
    %reduce_max3A_295 = arith.constant dense<0xFF800000> : vector<512xf32>
    %reduce_max3A_296 = vector.multi_reduction <maximumf>, %slice3A_294, %reduce_max3A_295 [1] : vector<512x128xf32> to vector<512xf32>
    %broadcast_in_dim3A_297 = vector.shape_cast %reduce_max3A_296 : vector<512xf32> to vector<512x1xf32>
    %ge3A_298 = vector.broadcast %broadcast_in_dim3A_297 : vector<512x1xf32> to vector<512x128xf32>
    %ge3A_299 = arith.cmpf oge, %slice3A_293, %ge3A_298 : vector<512x128xf32>
    %convert_element_type3A_300 = arith.extui %ge3A_299 : vector<512x128xi1> to vector<512x128xi32>
    %convert_element_type3A_301 = arith.sitofp %convert_element_type3A_300 : vector<512x128xi32> to vector<512x128xf32>
    %slice3A_302 = vector.extract_strided_slice %dot_general3A_274 {offsets = [0, 384], sizes = [512, 128], strides = [1, 1]} : vector<512x512xf32> to vector<512x128xf32>
    %slice3A_303 = vector.extract_strided_slice %dot_general3A_274 {offsets = [0, 384], sizes = [512, 128], strides = [1, 1]} : vector<512x512xf32> to vector<512x128xf32>
    %reduce_max3A_304 = arith.constant dense<0xFF800000> : vector<512xf32>
    %reduce_max3A_305 = vector.multi_reduction <maximumf>, %slice3A_303, %reduce_max3A_304 [1] : vector<512x128xf32> to vector<512xf32>
    %broadcast_in_dim3A_306 = vector.shape_cast %reduce_max3A_305 : vector<512xf32> to vector<512x1xf32>
    %ge3A_307 = vector.broadcast %broadcast_in_dim3A_306 : vector<512x1xf32> to vector<512x128xf32>
    %ge3A_308 = arith.cmpf oge, %slice3A_302, %ge3A_307 : vector<512x128xf32>
    %convert_element_type3A_309 = arith.extui %ge3A_308 : vector<512x128xi1> to vector<512x128xi32>
    %convert_element_type3A_310 = arith.sitofp %convert_element_type3A_309 : vector<512x128xi32> to vector<512x128xf32>
    %concatenate3A_311 = tpu.concatenate %convert_element_type3A_283, %convert_element_type3A_292, %convert_element_type3A_301, %convert_element_type3A_310 in 1 : vector<512x128xf32>, vector<512x128xf32>, vector<512x128xf32>, vector<512x128xf32> -> vector<512x512xf32>
    %get3A_312 = arith.constant 0 : index
    %get3A_313 = arith.constant 0 : index
    %get3A_314 = vector.load %arg5[%get3A_312, %get3A_313] : memref<512x4xf32, #tpu.memory_space<vmem>>, vector<512x4xf32>
    %dot_general3A_315 = arith.constant dense<0.000000e+00> : vector<512x4xf32>
    %dot_general3A_316 = tpu.matmul %concatenate3A_311, %get3A_314, %dot_general3A_315 {dimension_numbers = #tpu.dot_dimension_numbers<[1], [0], [0], [1], [0, 0, 1, 1], [], []>, transpose_lhs_hint = false} : vector<512x512xf32>, vector<512x4xf32>, vector<512x4xf32> -> vector<512x4xf32>
    %convert_element_type3A_317 = arith.fptosi %dot_general3A_316 : vector<512x4xf32> to vector<512x4xi32>
    %mul3A_318 = arith.constant 8192 : i32
    %mul3A_319 = vector.broadcast %mul3A_318 : i32 to vector<512x4xi32>
    %mul3A_320 = arith.muli %convert_element_type3A_317, %mul3A_319 : vector<512x4xi32>
    %add3A_321 = vector.broadcast %add3A_12 : vector<512x1xi32> to vector<512x4xi32>
    %add3A_322 = arith.addi %mul3A_320, %add3A_321 : vector<512x4xi32>
    %swap3A_323 = arith.constant 0 : index
    %swap3A_324 = arith.constant 16 : index
    %swap3A_325 = vector.load %arg7[%swap3A_323, %swap3A_324] : memref<512x48xi32, #tpu.memory_space<vmem>>, vector<512x4xi32>
    tpu.vector_store %arg7[%swap3A_323, %swap3A_324], %add3A_322 {strides = array<i32>} : memref<512x48xi32, #tpu.memory_space<vmem>>, vector<512x4xi32>,
    %slice3A_326 = vector.extract_strided_slice %dot_general3A_5 {offsets = [0, 320], sizes = [512, 64], strides = [1, 1]} : vector<512x768xf32> to vector<512x64xf32>
    %swap3A_327 = arith.constant 0 : index
    %swap3A_328 = arith.constant 640 : index
    %swap3A_329 = vector.load %arg6[%swap3A_327, %swap3A_328] : memref<512x1536xf32, #tpu.memory_space<vmem>>, vector<512x64xf32>
    tpu.vector_store %arg6[%swap3A_327, %swap3A_328], %slice3A_326 {strides = array<i32>} : memref<512x1536xf32, #tpu.memory_space<vmem>>, vector<512x64xf32>,
    %slice3A_330 = vector.extract_strided_slice %dot_general3A_10 {offsets = [0, 320], sizes = [512, 64], strides = [1, 1]} : vector<512x768xf32> to vector<512x64xf32>
    %swap3A_331 = arith.constant 0 : index
    %swap3A_332 = arith.constant 704 : index
    %swap3A_333 = vector.load %arg6[%swap3A_331, %swap3A_332] : memref<512x1536xf32, #tpu.memory_space<vmem>>, vector<512x64xf32>
    tpu.vector_store %arg6[%swap3A_331, %swap3A_332], %slice3A_330 {strides = array<i32>} : memref<512x1536xf32, #tpu.memory_space<vmem>>, vector<512x64xf32>,
    %get3A_334 = arith.constant 0 : index
    %get3A_335 = arith.constant 0 : index
    %get3A_336 = vector.load %arg4[%get3A_334, %get3A_335] : memref<64x512xf32, #tpu.memory_space<vmem>>, vector<64x512xf32>
    %dot_general3A_337 = arith.constant dense<0.000000e+00> : vector<512x512xf32>
    %dot_general3A_338 = tpu.matmul %slice3A_326, %get3A_336, %dot_general3A_337 {dimension_numbers = #tpu.dot_dimension_numbers<[1], [0], [0], [1], [0, 0, 1, 1], [], []>, transpose_lhs_hint = false} : vector<512x64xf32>, vector<64x512xf32>, vector<512x512xf32> -> vector<512x512xf32>
    %slice3A_339 = vector.extract_strided_slice %dot_general3A_338 {offsets = [0, 0], sizes = [512, 128], strides = [1, 1]} : vector<512x512xf32> to vector<512x128xf32>
    %slice3A_340 = vector.extract_strided_slice %dot_general3A_338 {offsets = [0, 0], sizes = [512, 128], strides = [1, 1]} : vector<512x512xf32> to vector<512x128xf32>
    %reduce_max3A_341 = arith.constant dense<0xFF800000> : vector<512xf32>
    %reduce_max3A_342 = vector.multi_reduction <maximumf>, %slice3A_340, %reduce_max3A_341 [1] : vector<512x128xf32> to vector<512xf32>
    %broadcast_in_dim3A_343 = vector.shape_cast %reduce_max3A_342 : vector<512xf32> to vector<512x1xf32>
    %ge3A_344 = vector.broadcast %broadcast_in_dim3A_343 : vector<512x1xf32> to vector<512x128xf32>
    %ge3A_345 = arith.cmpf oge, %slice3A_339, %ge3A_344 : vector<512x128xf32>
    %convert_element_type3A_346 = arith.extui %ge3A_345 : vector<512x128xi1> to vector<512x128xi32>
    %convert_element_type3A_347 = arith.sitofp %convert_element_type3A_346 : vector<512x128xi32> to vector<512x128xf32>
    %slice3A_348 = vector.extract_strided_slice %dot_general3A_338 {offsets = [0, 128], sizes = [512, 128], strides = [1, 1]} : vector<512x512xf32> to vector<512x128xf32>
    %slice3A_349 = vector.extract_strided_slice %dot_general3A_338 {offsets = [0, 128], sizes = [512, 128], strides = [1, 1]} : vector<512x512xf32> to vector<512x128xf32>
    %reduce_max3A_350 = arith.constant dense<0xFF800000> : vector<512xf32>
    %reduce_max3A_351 = vector.multi_reduction <maximumf>, %slice3A_349, %reduce_max3A_350 [1] : vector<512x128xf32> to vector<512xf32>
    %broadcast_in_dim3A_352 = vector.shape_cast %reduce_max3A_351 : vector<512xf32> to vector<512x1xf32>
    %ge3A_353 = vector.broadcast %broadcast_in_dim3A_352 : vector<512x1xf32> to vector<512x128xf32>
    %ge3A_354 = arith.cmpf oge, %slice3A_348, %ge3A_353 : vector<512x128xf32>
    %convert_element_type3A_355 = arith.extui %ge3A_354 : vector<512x128xi1> to vector<512x128xi32>
    %convert_element_type3A_356 = arith.sitofp %convert_element_type3A_355 : vector<512x128xi32> to vector<512x128xf32>
    %slice3A_357 = vector.extract_strided_slice %dot_general3A_338 {offsets = [0, 256], sizes = [512, 128], strides = [1, 1]} : vector<512x512xf32> to vector<512x128xf32>
    %slice3A_358 = vector.extract_strided_slice %dot_general3A_338 {offsets = [0, 256], sizes = [512, 128], strides = [1, 1]} : vector<512x512xf32> to vector<512x128xf32>
    %reduce_max3A_359 = arith.constant dense<0xFF800000> : vector<512xf32>
    %reduce_max3A_360 = vector.multi_reduction <maximumf>, %slice3A_358, %reduce_max3A_359 [1] : vector<512x128xf32> to vector<512xf32>
    %broadcast_in_dim3A_361 = vector.shape_cast %reduce_max3A_360 : vector<512xf32> to vector<512x1xf32>
    %ge3A_362 = vector.broadcast %broadcast_in_dim3A_361 : vector<512x1xf32> to vector<512x128xf32>
    %ge3A_363 = arith.cmpf oge, %slice3A_357, %ge3A_362 : vector<512x128xf32>
    %convert_element_type3A_364 = arith.extui %ge3A_363 : vector<512x128xi1> to vector<512x128xi32>
    %convert_element_type3A_365 = arith.sitofp %convert_element_type3A_364 : vector<512x128xi32> to vector<512x128xf32>
    %slice3A_366 = vector.extract_strided_slice %dot_general3A_338 {offsets = [0, 384], sizes = [512, 128], strides = [1, 1]} : vector<512x512xf32> to vector<512x128xf32>
    %slice3A_367 = vector.extract_strided_slice %dot_general3A_338 {offsets = [0, 384], sizes = [512, 128], strides = [1, 1]} : vector<512x512xf32> to vector<512x128xf32>
    %reduce_max3A_368 = arith.constant dense<0xFF800000> : vector<512xf32>
    %reduce_max3A_369 = vector.multi_reduction <maximumf>, %slice3A_367, %reduce_max3A_368 [1] : vector<512x128xf32> to vector<512xf32>
    %broadcast_in_dim3A_370 = vector.shape_cast %reduce_max3A_369 : vector<512xf32> to vector<512x1xf32>
    %ge3A_371 = vector.broadcast %broadcast_in_dim3A_370 : vector<512x1xf32> to vector<512x128xf32>
    %ge3A_372 = arith.cmpf oge, %slice3A_366, %ge3A_371 : vector<512x128xf32>
    %convert_element_type3A_373 = arith.extui %ge3A_372 : vector<512x128xi1> to vector<512x128xi32>
    %convert_element_type3A_374 = arith.sitofp %convert_element_type3A_373 : vector<512x128xi32> to vector<512x128xf32>
    %concatenate3A_375 = tpu.concatenate %convert_element_type3A_347, %convert_element_type3A_356, %convert_element_type3A_365, %convert_element_type3A_374 in 1 : vector<512x128xf32>, vector<512x128xf32>, vector<512x128xf32>, vector<512x128xf32> -> vector<512x512xf32>
    %get3A_376 = arith.constant 0 : index
    %get3A_377 = arith.constant 0 : index
    %get3A_378 = vector.load %arg5[%get3A_376, %get3A_377] : memref<512x4xf32, #tpu.memory_space<vmem>>, vector<512x4xf32>
    %dot_general3A_379 = arith.constant dense<0.000000e+00> : vector<512x4xf32>
    %dot_general3A_380 = tpu.matmul %concatenate3A_375, %get3A_378, %dot_general3A_379 {dimension_numbers = #tpu.dot_dimension_numbers<[1], [0], [0], [1], [0, 0, 1, 1], [], []>, transpose_lhs_hint = false} : vector<512x512xf32>, vector<512x4xf32>, vector<512x4xf32> -> vector<512x4xf32>
    %convert_element_type3A_381 = arith.fptosi %dot_general3A_380 : vector<512x4xf32> to vector<512x4xi32>
    %mul3A_382 = arith.constant 8192 : i32
    %mul3A_383 = vector.broadcast %mul3A_382 : i32 to vector<512x4xi32>
    %mul3A_384 = arith.muli %convert_element_type3A_381, %mul3A_383 : vector<512x4xi32>
    %add3A_385 = vector.broadcast %add3A_12 : vector<512x1xi32> to vector<512x4xi32>
    %add3A_386 = arith.addi %mul3A_384, %add3A_385 : vector<512x4xi32>
    %swap3A_387 = arith.constant 0 : index
    %swap3A_388 = arith.constant 20 : index
    %swap3A_389 = vector.load %arg7[%swap3A_387, %swap3A_388] : memref<512x48xi32, #tpu.memory_space<vmem>>, vector<512x4xi32>
    tpu.vector_store %arg7[%swap3A_387, %swap3A_388], %add3A_386 {strides = array<i32>} : memref<512x48xi32, #tpu.memory_space<vmem>>, vector<512x4xi32>,
    %slice3A_390 = vector.extract_strided_slice %dot_general3A_5 {offsets = [0, 384], sizes = [512, 64], strides = [1, 1]} : vector<512x768xf32> to vector<512x64xf32>
    %swap3A_391 = arith.constant 0 : index
    %swap3A_392 = arith.constant 768 : index
    %swap3A_393 = vector.load %arg6[%swap3A_391, %swap3A_392] : memref<512x1536xf32, #tpu.memory_space<vmem>>, vector<512x64xf32>
    tpu.vector_store %arg6[%swap3A_391, %swap3A_392], %slice3A_390 {strides = array<i32>} : memref<512x1536xf32, #tpu.memory_space<vmem>>, vector<512x64xf32>,
    %slice3A_394 = vector.extract_strided_slice %dot_general3A_10 {offsets = [0, 384], sizes = [512, 64], strides = [1, 1]} : vector<512x768xf32> to vector<512x64xf32>
    %swap3A_395 = arith.constant 0 : index
    %swap3A_396 = arith.constant 832 : index
    %swap3A_397 = vector.load %arg6[%swap3A_395, %swap3A_396] : memref<512x1536xf32, #tpu.memory_space<vmem>>, vector<512x64xf32>
    tpu.vector_store %arg6[%swap3A_395, %swap3A_396], %slice3A_394 {strides = array<i32>} : memref<512x1536xf32, #tpu.memory_space<vmem>>, vector<512x64xf32>,
    %get3A_398 = arith.constant 0 : index
    %get3A_399 = arith.constant 0 : index
    %get3A_400 = vector.load %arg4[%get3A_398, %get3A_399] : memref<64x512xf32, #tpu.memory_space<vmem>>, vector<64x512xf32>
    %dot_general3A_401 = arith.constant dense<0.000000e+00> : vector<512x512xf32>
    %dot_general3A_402 = tpu.matmul %slice3A_390, %get3A_400, %dot_general3A_401 {dimension_numbers = #tpu.dot_dimension_numbers<[1], [0], [0], [1], [0, 0, 1, 1], [], []>, transpose_lhs_hint = false} : vector<512x64xf32>, vector<64x512xf32>, vector<512x512xf32> -> vector<512x512xf32>
    %slice3A_403 = vector.extract_strided_slice %dot_general3A_402 {offsets = [0, 0], sizes = [512, 128], strides = [1, 1]} : vector<512x512xf32> to vector<512x128xf32>
    %slice3A_404 = vector.extract_strided_slice %dot_general3A_402 {offsets = [0, 0], sizes = [512, 128], strides = [1, 1]} : vector<512x512xf32> to vector<512x128xf32>
    %reduce_max3A_405 = arith.constant dense<0xFF800000> : vector<512xf32>
    %reduce_max3A_406 = vector.multi_reduction <maximumf>, %slice3A_404, %reduce_max3A_405 [1] : vector<512x128xf32> to vector<512xf32>
    %broadcast_in_dim3A_407 = vector.shape_cast %reduce_max3A_406 : vector<512xf32> to vector<512x1xf32>
    %ge3A_408 = vector.broadcast %broadcast_in_dim3A_407 : vector<512x1xf32> to vector<512x128xf32>
    %ge3A_409 = arith.cmpf oge, %slice3A_403, %ge3A_408 : vector<512x128xf32>
    %convert_element_type3A_410 = arith.extui %ge3A_409 : vector<512x128xi1> to vector<512x128xi32>
    %convert_element_type3A_411 = arith.sitofp %convert_element_type3A_410 : vector<512x128xi32> to vector<512x128xf32>
    %slice3A_412 = vector.extract_strided_slice %dot_general3A_402 {offsets = [0, 128], sizes = [512, 128], strides = [1, 1]} : vector<512x512xf32> to vector<512x128xf32>
    %slice3A_413 = vector.extract_strided_slice %dot_general3A_402 {offsets = [0, 128], sizes = [512, 128], strides = [1, 1]} : vector<512x512xf32> to vector<512x128xf32>
    %reduce_max3A_414 = arith.constant dense<0xFF800000> : vector<512xf32>
    %reduce_max3A_415 = vector.multi_reduction <maximumf>, %slice3A_413, %reduce_max3A_414 [1] : vector<512x128xf32> to vector<512xf32>
    %broadcast_in_dim3A_416 = vector.shape_cast %reduce_max3A_415 : vector<512xf32> to vector<512x1xf32>
    %ge3A_417 = vector.broadcast %broadcast_in_dim3A_416 : vector<512x1xf32> to vector<512x128xf32>
    %ge3A_418 = arith.cmpf oge, %slice3A_412, %ge3A_417 : vector<512x128xf32>
    %convert_element_type3A_419 = arith.extui %ge3A_418 : vector<512x128xi1> to vector<512x128xi32>
    %convert_element_type3A_420 = arith.sitofp %convert_element_type3A_419 : vector<512x128xi32> to vector<512x128xf32>
    %slice3A_421 = vector.extract_strided_slice %dot_general3A_402 {offsets = [0, 256], sizes = [512, 128], strides = [1, 1]} : vector<512x512xf32> to vector<512x128xf32>
    %slice3A_422 = vector.extract_strided_slice %dot_general3A_402 {offsets = [0, 256], sizes = [512, 128], strides = [1, 1]} : vector<512x512xf32> to vector<512x128xf32>
    %reduce_max3A_423 = arith.constant dense<0xFF800000> : vector<512xf32>
    %reduce_max3A_424 = vector.multi_reduction <maximumf>, %slice3A_422, %reduce_max3A_423 [1] : vector<512x128xf32> to vector<512xf32>
    %broadcast_in_dim3A_425 = vector.shape_cast %reduce_max3A_424 : vector<512xf32> to vector<512x1xf32>
    %ge3A_426 = vector.broadcast %broadcast_in_dim3A_425 : vector<512x1xf32> to vector<512x128xf32>
    %ge3A_427 = arith.cmpf oge, %slice3A_421, %ge3A_426 : vector<512x128xf32>
    %convert_element_type3A_428 = arith.extui %ge3A_427 : vector<512x128xi1> to vector<512x128xi32>
    %convert_element_type3A_429 = arith.sitofp %convert_element_type3A_428 : vector<512x128xi32> to vector<512x128xf32>
    %slice3A_430 = vector.extract_strided_slice %dot_general3A_402 {offsets = [0, 384], sizes = [512, 128], strides = [1, 1]} : vector<512x512xf32> to vector<512x128xf32>
    %slice3A_431 = vector.extract_strided_slice %dot_general3A_402 {offsets = [0, 384], sizes = [512, 128], strides = [1, 1]} : vector<512x512xf32> to vector<512x128xf32>
    %reduce_max3A_432 = arith.constant dense<0xFF800000> : vector<512xf32>
    %reduce_max3A_433 = vector.multi_reduction <maximumf>, %slice3A_431, %reduce_max3A_432 [1] : vector<512x128xf32> to vector<512xf32>
    %broadcast_in_dim3A_434 = vector.shape_cast %reduce_max3A_433 : vector<512xf32> to vector<512x1xf32>
    %ge3A_435 = vector.broadcast %broadcast_in_dim3A_434 : vector<512x1xf32> to vector<512x128xf32>
    %ge3A_436 = arith.cmpf oge, %slice3A_430, %ge3A_435 : vector<512x128xf32>
    %convert_element_type3A_437 = arith.extui %ge3A_436 : vector<512x128xi1> to vector<512x128xi32>
    %convert_element_type3A_438 = arith.sitofp %convert_element_type3A_437 : vector<512x128xi32> to vector<512x128xf32>
    %concatenate3A_439 = tpu.concatenate %convert_element_type3A_411, %convert_element_type3A_420, %convert_element_type3A_429, %convert_element_type3A_438 in 1 : vector<512x128xf32>, vector<512x128xf32>, vector<512x128xf32>, vector<512x128xf32> -> vector<512x512xf32>
    %get3A_440 = arith.constant 0 : index
    %get3A_441 = arith.constant 0 : index
    %get3A_442 = vector.load %arg5[%get3A_440, %get3A_441] : memref<512x4xf32, #tpu.memory_space<vmem>>, vector<512x4xf32>
    %dot_general3A_443 = arith.constant dense<0.000000e+00> : vector<512x4xf32>
    %dot_general3A_444 = tpu.matmul %concatenate3A_439, %get3A_442, %dot_general3A_443 {dimension_numbers = #tpu.dot_dimension_numbers<[1], [0], [0], [1], [0, 0, 1, 1], [], []>, transpose_lhs_hint = false} : vector<512x512xf32>, vector<512x4xf32>, vector<512x4xf32> -> vector<512x4xf32>
    %convert_element_type3A_445 = arith.fptosi %dot_general3A_444 : vector<512x4xf32> to vector<512x4xi32>
    %mul3A_446 = arith.constant 8192 : i32
    %mul3A_447 = vector.broadcast %mul3A_446 : i32 to vector<512x4xi32>
    %mul3A_448 = arith.muli %convert_element_type3A_445, %mul3A_447 : vector<512x4xi32>
    %add3A_449 = vector.broadcast %add3A_12 : vector<512x1xi32> to vector<512x4xi32>
    %add3A_450 = arith.addi %mul3A_448, %add3A_449 : vector<512x4xi32>
    %swap3A_451 = arith.constant 0 : index
    %swap3A_452 = arith.constant 24 : index
    %swap3A_453 = vector.load %arg7[%swap3A_451, %swap3A_452] : memref<512x48xi32, #tpu.memory_space<vmem>>, vector<512x4xi32>
    tpu.vector_store %arg7[%swap3A_451, %swap3A_452], %add3A_450 {strides = array<i32>} : memref<512x48xi32, #tpu.memory_space<vmem>>, vector<512x4xi32>,
    %slice3A_454 = vector.extract_strided_slice %dot_general3A_5 {offsets = [0, 448], sizes = [512, 64], strides = [1, 1]} : vector<512x768xf32> to vector<512x64xf32>
    %swap3A_455 = arith.constant 0 : index
    %swap3A_456 = arith.constant 896 : index
    %swap3A_457 = vector.load %arg6[%swap3A_455, %swap3A_456] : memref<512x1536xf32, #tpu.memory_space<vmem>>, vector<512x64xf32>
    tpu.vector_store %arg6[%swap3A_455, %swap3A_456], %slice3A_454 {strides = array<i32>} : memref<512x1536xf32, #tpu.memory_space<vmem>>, vector<512x64xf32>,
    %slice3A_458 = vector.extract_strided_slice %dot_general3A_10 {offsets = [0, 448], sizes = [512, 64], strides = [1, 1]} : vector<512x768xf32> to vector<512x64xf32>
    %swap3A_459 = arith.constant 0 : index
    %swap3A_460 = arith.constant 960 : index
    %swap3A_461 = vector.load %arg6[%swap3A_459, %swap3A_460] : memref<512x1536xf32, #tpu.memory_space<vmem>>, vector<512x64xf32>
    tpu.vector_store %arg6[%swap3A_459, %swap3A_460], %slice3A_458 {strides = array<i32>} : memref<512x1536xf32, #tpu.memory_space<vmem>>, vector<512x64xf32>,
    %get3A_462 = arith.constant 0 : index
    %get3A_463 = arith.constant 0 : index
    %get3A_464 = vector.load %arg4[%get3A_462, %get3A_463] : memref<64x512xf32, #tpu.memory_space<vmem>>, vector<64x512xf32>
    %dot_general3A_465 = arith.constant dense<0.000000e+00> : vector<512x512xf32>
    %dot_general3A_466 = tpu.matmul %slice3A_454, %get3A_464, %dot_general3A_465 {dimension_numbers = #tpu.dot_dimension_numbers<[1], [0], [0], [1], [0, 0, 1, 1], [], []>, transpose_lhs_hint = false} : vector<512x64xf32>, vector<64x512xf32>, vector<512x512xf32> -> vector<512x512xf32>
    %slice3A_467 = vector.extract_strided_slice %dot_general3A_466 {offsets = [0, 0], sizes = [512, 128], strides = [1, 1]} : vector<512x512xf32> to vector<512x128xf32>
    %slice3A_468 = vector.extract_strided_slice %dot_general3A_466 {offsets = [0, 0], sizes = [512, 128], strides = [1, 1]} : vector<512x512xf32> to vector<512x128xf32>
    %reduce_max3A_469 = arith.constant dense<0xFF800000> : vector<512xf32>
    %reduce_max3A_470 = vector.multi_reduction <maximumf>, %slice3A_468, %reduce_max3A_469 [1] : vector<512x128xf32> to vector<512xf32>
    %broadcast_in_dim3A_471 = vector.shape_cast %reduce_max3A_470 : vector<512xf32> to vector<512x1xf32>
    %ge3A_472 = vector.broadcast %broadcast_in_dim3A_471 : vector<512x1xf32> to vector<512x128xf32>
    %ge3A_473 = arith.cmpf oge, %slice3A_467, %ge3A_472 : vector<512x128xf32>
    %convert_element_type3A_474 = arith.extui %ge3A_473 : vector<512x128xi1> to vector<512x128xi32>
    %convert_element_type3A_475 = arith.sitofp %convert_element_type3A_474 : vector<512x128xi32> to vector<512x128xf32>
    %slice3A_476 = vector.extract_strided_slice %dot_general3A_466 {offsets = [0, 128], sizes = [512, 128], strides = [1, 1]} : vector<512x512xf32> to vector<512x128xf32>
    %slice3A_477 = vector.extract_strided_slice %dot_general3A_466 {offsets = [0, 128], sizes = [512, 128], strides = [1, 1]} : vector<512x512xf32> to vector<512x128xf32>
    %reduce_max3A_478 = arith.constant dense<0xFF800000> : vector<512xf32>
    %reduce_max3A_479 = vector.multi_reduction <maximumf>, %slice3A_477, %reduce_max3A_478 [1] : vector<512x128xf32> to vector<512xf32>
    %broadcast_in_dim3A_480 = vector.shape_cast %reduce_max3A_479 : vector<512xf32> to vector<512x1xf32>
    %ge3A_481 = vector.broadcast %broadcast_in_dim3A_480 : vector<512x1xf32> to vector<512x128xf32>
    %ge3A_482 = arith.cmpf oge, %slice3A_476, %ge3A_481 : vector<512x128xf32>
    %convert_element_type3A_483 = arith.extui %ge3A_482 : vector<512x128xi1> to vector<512x128xi32>
    %convert_element_type3A_484 = arith.sitofp %convert_element_type3A_483 : vector<512x128xi32> to vector<512x128xf32>
    %slice3A_485 = vector.extract_strided_slice %dot_general3A_466 {offsets = [0, 256], sizes = [512, 128], strides = [1, 1]} : vector<512x512xf32> to vector<512x128xf32>
    %slice3A_486 = vector.extract_strided_slice %dot_general3A_466 {offsets = [0, 256], sizes = [512, 128], strides = [1, 1]} : vector<512x512xf32> to vector<512x128xf32>
    %reduce_max3A_487 = arith.constant dense<0xFF800000> : vector<512xf32>
    %reduce_max3A_488 = vector.multi_reduction <maximumf>, %slice3A_486, %reduce_max3A_487 [1] : vector<512x128xf32> to vector<512xf32>
    %broadcast_in_dim3A_489 = vector.shape_cast %reduce_max3A_488 : vector<512xf32> to vector<512x1xf32>
    %ge3A_490 = vector.broadcast %broadcast_in_dim3A_489 : vector<512x1xf32> to vector<512x128xf32>
    %ge3A_491 = arith.cmpf oge, %slice3A_485, %ge3A_490 : vector<512x128xf32>
    %convert_element_type3A_492 = arith.extui %ge3A_491 : vector<512x128xi1> to vector<512x128xi32>
    %convert_element_type3A_493 = arith.sitofp %convert_element_type3A_492 : vector<512x128xi32> to vector<512x128xf32>
    %slice3A_494 = vector.extract_strided_slice %dot_general3A_466 {offsets = [0, 384], sizes = [512, 128], strides = [1, 1]} : vector<512x512xf32> to vector<512x128xf32>
    %slice3A_495 = vector.extract_strided_slice %dot_general3A_466 {offsets = [0, 384], sizes = [512, 128], strides = [1, 1]} : vector<512x512xf32> to vector<512x128xf32>
    %reduce_max3A_496 = arith.constant dense<0xFF800000> : vector<512xf32>
    %reduce_max3A_497 = vector.multi_reduction <maximumf>, %slice3A_495, %reduce_max3A_496 [1] : vector<512x128xf32> to vector<512xf32>
    %broadcast_in_dim3A_498 = vector.shape_cast %reduce_max3A_497 : vector<512xf32> to vector<512x1xf32>
    %ge3A_499 = vector.broadcast %broadcast_in_dim3A_498 : vector<512x1xf32> to vector<512x128xf32>
    %ge3A_500 = arith.cmpf oge, %slice3A_494, %ge3A_499 : vector<512x128xf32>
    %convert_element_type3A_501 = arith.extui %ge3A_500 : vector<512x128xi1> to vector<512x128xi32>
    %convert_element_type3A_502 = arith.sitofp %convert_element_type3A_501 : vector<512x128xi32> to vector<512x128xf32>
    %concatenate3A_503 = tpu.concatenate %convert_element_type3A_475, %convert_element_type3A_484, %convert_element_type3A_493, %convert_element_type3A_502 in 1 : vector<512x128xf32>, vector<512x128xf32>, vector<512x128xf32>, vector<512x128xf32> -> vector<512x512xf32>
    %get3A_504 = arith.constant 0 : index
    %get3A_505 = arith.constant 0 : index
    %get3A_506 = vector.load %arg5[%get3A_504, %get3A_505] : memref<512x4xf32, #tpu.memory_space<vmem>>, vector<512x4xf32>
    %dot_general3A_507 = arith.constant dense<0.000000e+00> : vector<512x4xf32>
    %dot_general3A_508 = tpu.matmul %concatenate3A_503, %get3A_506, %dot_general3A_507 {dimension_numbers = #tpu.dot_dimension_numbers<[1], [0], [0], [1], [0, 0, 1, 1], [], []>, transpose_lhs_hint = false} : vector<512x512xf32>, vector<512x4xf32>, vector<512x4xf32> -> vector<512x4xf32>
    %convert_element_type3A_509 = arith.fptosi %dot_general3A_508 : vector<512x4xf32> to vector<512x4xi32>
    %mul3A_510 = arith.constant 8192 : i32
    %mul3A_511 = vector.broadcast %mul3A_510 : i32 to vector<512x4xi32>
    %mul3A_512 = arith.muli %convert_element_type3A_509, %mul3A_511 : vector<512x4xi32>
    %add3A_513 = vector.broadcast %add3A_12 : vector<512x1xi32> to vector<512x4xi32>
    %add3A_514 = arith.addi %mul3A_512, %add3A_513 : vector<512x4xi32>
    %swap3A_515 = arith.constant 0 : index
    %swap3A_516 = arith.constant 28 : index
    %swap3A_517 = vector.load %arg7[%swap3A_515, %swap3A_516] : memref<512x48xi32, #tpu.memory_space<vmem>>, vector<512x4xi32>
    tpu.vector_store %arg7[%swap3A_515, %swap3A_516], %add3A_514 {strides = array<i32>} : memref<512x48xi32, #tpu.memory_space<vmem>>, vector<512x4xi32>,
    %slice3A_518 = vector.extract_strided_slice %dot_general3A_5 {offsets = [0, 512], sizes = [512, 64], strides = [1, 1]} : vector<512x768xf32> to vector<512x64xf32>
    %swap3A_519 = arith.constant 0 : index
    %swap3A_520 = arith.constant 1024 : index
    %swap3A_521 = vector.load %arg6[%swap3A_519, %swap3A_520] : memref<512x1536xf32, #tpu.memory_space<vmem>>, vector<512x64xf32>
    tpu.vector_store %arg6[%swap3A_519, %swap3A_520], %slice3A_518 {strides = array<i32>} : memref<512x1536xf32, #tpu.memory_space<vmem>>, vector<512x64xf32>,
    %slice3A_522 = vector.extract_strided_slice %dot_general3A_10 {offsets = [0, 512], sizes = [512, 64], strides = [1, 1]} : vector<512x768xf32> to vector<512x64xf32>
    %swap3A_523 = arith.constant 0 : index
    %swap3A_524 = arith.constant 1088 : index
    %swap3A_525 = vector.load %arg6[%swap3A_523, %swap3A_524] : memref<512x1536xf32, #tpu.memory_space<vmem>>, vector<512x64xf32>
    tpu.vector_store %arg6[%swap3A_523, %swap3A_524], %slice3A_522 {strides = array<i32>} : memref<512x1536xf32, #tpu.memory_space<vmem>>, vector<512x64xf32>,
    %get3A_526 = arith.constant 0 : index
    %get3A_527 = arith.constant 0 : index
    %get3A_528 = vector.load %arg4[%get3A_526, %get3A_527] : memref<64x512xf32, #tpu.memory_space<vmem>>, vector<64x512xf32>
    %dot_general3A_529 = arith.constant dense<0.000000e+00> : vector<512x512xf32>
    %dot_general3A_530 = tpu.matmul %slice3A_518, %get3A_528, %dot_general3A_529 {dimension_numbers = #tpu.dot_dimension_numbers<[1], [0], [0], [1], [0, 0, 1, 1], [], []>, transpose_lhs_hint = false} : vector<512x64xf32>, vector<64x512xf32>, vector<512x512xf32> -> vector<512x512xf32>
    %slice3A_531 = vector.extract_strided_slice %dot_general3A_530 {offsets = [0, 0], sizes = [512, 128], strides = [1, 1]} : vector<512x512xf32> to vector<512x128xf32>
    %slice3A_532 = vector.extract_strided_slice %dot_general3A_530 {offsets = [0, 0], sizes = [512, 128], strides = [1, 1]} : vector<512x512xf32> to vector<512x128xf32>
    %reduce_max3A_533 = arith.constant dense<0xFF800000> : vector<512xf32>
    %reduce_max3A_534 = vector.multi_reduction <maximumf>, %slice3A_532, %reduce_max3A_533 [1] : vector<512x128xf32> to vector<512xf32>
    %broadcast_in_dim3A_535 = vector.shape_cast %reduce_max3A_534 : vector<512xf32> to vector<512x1xf32>
    %ge3A_536 = vector.broadcast %broadcast_in_dim3A_535 : vector<512x1xf32> to vector<512x128xf32>
    %ge3A_537 = arith.cmpf oge, %slice3A_531, %ge3A_536 : vector<512x128xf32>
    %convert_element_type3A_538 = arith.extui %ge3A_537 : vector<512x128xi1> to vector<512x128xi32>
    %convert_element_type3A_539 = arith.sitofp %convert_element_type3A_538 : vector<512x128xi32> to vector<512x128xf32>
    %slice3A_540 = vector.extract_strided_slice %dot_general3A_530 {offsets = [0, 128], sizes = [512, 128], strides = [1, 1]} : vector<512x512xf32> to vector<512x128xf32>
    %slice3A_541 = vector.extract_strided_slice %dot_general3A_530 {offsets = [0, 128], sizes = [512, 128], strides = [1, 1]} : vector<512x512xf32> to vector<512x128xf32>
    %reduce_max3A_542 = arith.constant dense<0xFF800000> : vector<512xf32>
    %reduce_max3A_543 = vector.multi_reduction <maximumf>, %slice3A_541, %reduce_max3A_542 [1] : vector<512x128xf32> to vector<512xf32>
    %broadcast_in_dim3A_544 = vector.shape_cast %reduce_max3A_543 : vector<512xf32> to vector<512x1xf32>
    %ge3A_545 = vector.broadcast %broadcast_in_dim3A_544 : vector<512x1xf32> to vector<512x128xf32>
    %ge3A_546 = arith.cmpf oge, %slice3A_540, %ge3A_545 : vector<512x128xf32>
    %convert_element_type3A_547 = arith.extui %ge3A_546 : vector<512x128xi1> to vector<512x128xi32>
    %convert_element_type3A_548 = arith.sitofp %convert_element_type3A_547 : vector<512x128xi32> to vector<512x128xf32>
    %slice3A_549 = vector.extract_strided_slice %dot_general3A_530 {offsets = [0, 256], sizes = [512, 128], strides = [1, 1]} : vector<512x512xf32> to vector<512x128xf32>
    %slice3A_550 = vector.extract_strided_slice %dot_general3A_530 {offsets = [0, 256], sizes = [512, 128], strides = [1, 1]} : vector<512x512xf32> to vector<512x128xf32>
    %reduce_max3A_551 = arith.constant dense<0xFF800000> : vector<512xf32>
    %reduce_max3A_552 = vector.multi_reduction <maximumf>, %slice3A_550, %reduce_max3A_551 [1] : vector<512x128xf32> to vector<512xf32>
    %broadcast_in_dim3A_553 = vector.shape_cast %reduce_max3A_552 : vector<512xf32> to vector<512x1xf32>
    %ge3A_554 = vector.broadcast %broadcast_in_dim3A_553 : vector<512x1xf32> to vector<512x128xf32>
    %ge3A_555 = arith.cmpf oge, %slice3A_549, %ge3A_554 : vector<512x128xf32>
    %convert_element_type3A_556 = arith.extui %ge3A_555 : vector<512x128xi1> to vector<512x128xi32>
    %convert_element_type3A_557 = arith.sitofp %convert_element_type3A_556 : vector<512x128xi32> to vector<512x128xf32>
    %slice3A_558 = vector.extract_strided_slice %dot_general3A_530 {offsets = [0, 384], sizes = [512, 128], strides = [1, 1]} : vector<512x512xf32> to vector<512x128xf32>
    %slice3A_559 = vector.extract_strided_slice %dot_general3A_530 {offsets = [0, 384], sizes = [512, 128], strides = [1, 1]} : vector<512x512xf32> to vector<512x128xf32>
    %reduce_max3A_560 = arith.constant dense<0xFF800000> : vector<512xf32>
    %reduce_max3A_561 = vector.multi_reduction <maximumf>, %slice3A_559, %reduce_max3A_560 [1] : vector<512x128xf32> to vector<512xf32>
    %broadcast_in_dim3A_562 = vector.shape_cast %reduce_max3A_561 : vector<512xf32> to vector<512x1xf32>
    %ge3A_563 = vector.broadcast %broadcast_in_dim3A_562 : vector<512x1xf32> to vector<512x128xf32>
    %ge3A_564 = arith.cmpf oge, %slice3A_558, %ge3A_563 : vector<512x128xf32>
    %convert_element_type3A_565 = arith.extui %ge3A_564 : vector<512x128xi1> to vector<512x128xi32>
    %convert_element_type3A_566 = arith.sitofp %convert_element_type3A_565 : vector<512x128xi32> to vector<512x128xf32>
    %concatenate3A_567 = tpu.concatenate %convert_element_type3A_539, %convert_element_type3A_548, %convert_element_type3A_557, %convert_element_type3A_566 in 1 : vector<512x128xf32>, vector<512x128xf32>, vector<512x128xf32>, vector<512x128xf32> -> vector<512x512xf32>
    %get3A_568 = arith.constant 0 : index
    %get3A_569 = arith.constant 0 : index
    %get3A_570 = vector.load %arg5[%get3A_568, %get3A_569] : memref<512x4xf32, #tpu.memory_space<vmem>>, vector<512x4xf32>
    %dot_general3A_571 = arith.constant dense<0.000000e+00> : vector<512x4xf32>
    %dot_general3A_572 = tpu.matmul %concatenate3A_567, %get3A_570, %dot_general3A_571 {dimension_numbers = #tpu.dot_dimension_numbers<[1], [0], [0], [1], [0, 0, 1, 1], [], []>, transpose_lhs_hint = false} : vector<512x512xf32>, vector<512x4xf32>, vector<512x4xf32> -> vector<512x4xf32>
    %convert_element_type3A_573 = arith.fptosi %dot_general3A_572 : vector<512x4xf32> to vector<512x4xi32>
    %mul3A_574 = arith.constant 8192 : i32
    %mul3A_575 = vector.broadcast %mul3A_574 : i32 to vector<512x4xi32>
    %mul3A_576 = arith.muli %convert_element_type3A_573, %mul3A_575 : vector<512x4xi32>
    %add3A_577 = vector.broadcast %add3A_12 : vector<512x1xi32> to vector<512x4xi32>
    %add3A_578 = arith.addi %mul3A_576, %add3A_577 : vector<512x4xi32>
    %swap3A_579 = arith.constant 0 : index
    %swap3A_580 = arith.constant 32 : index
    %swap3A_581 = vector.load %arg7[%swap3A_579, %swap3A_580] : memref<512x48xi32, #tpu.memory_space<vmem>>, vector<512x4xi32>
    tpu.vector_store %arg7[%swap3A_579, %swap3A_580], %add3A_578 {strides = array<i32>} : memref<512x48xi32, #tpu.memory_space<vmem>>, vector<512x4xi32>,
    %slice3A_582 = vector.extract_strided_slice %dot_general3A_5 {offsets = [0, 576], sizes = [512, 64], strides = [1, 1]} : vector<512x768xf32> to vector<512x64xf32>
    %swap3A_583 = arith.constant 0 : index
    %swap3A_584 = arith.constant 1152 : index
    %swap3A_585 = vector.load %arg6[%swap3A_583, %swap3A_584] : memref<512x1536xf32, #tpu.memory_space<vmem>>, vector<512x64xf32>
    tpu.vector_store %arg6[%swap3A_583, %swap3A_584], %slice3A_582 {strides = array<i32>} : memref<512x1536xf32, #tpu.memory_space<vmem>>, vector<512x64xf32>,
    %slice3A_586 = vector.extract_strided_slice %dot_general3A_10 {offsets = [0, 576], sizes = [512, 64], strides = [1, 1]} : vector<512x768xf32> to vector<512x64xf32>
    %swap3A_587 = arith.constant 0 : index
    %swap3A_588 = arith.constant 1216 : index
    %swap3A_589 = vector.load %arg6[%swap3A_587, %swap3A_588] : memref<512x1536xf32, #tpu.memory_space<vmem>>, vector<512x64xf32>
    tpu.vector_store %arg6[%swap3A_587, %swap3A_588], %slice3A_586 {strides = array<i32>} : memref<512x1536xf32, #tpu.memory_space<vmem>>, vector<512x64xf32>,
    %get3A_590 = arith.constant 0 : index
    %get3A_591 = arith.constant 0 : index
    %get3A_592 = vector.load %arg4[%get3A_590, %get3A_591] : memref<64x512xf32, #tpu.memory_space<vmem>>, vector<64x512xf32>
    %dot_general3A_593 = arith.constant dense<0.000000e+00> : vector<512x512xf32>
    %dot_general3A_594 = tpu.matmul %slice3A_582, %get3A_592, %dot_general3A_593 {dimension_numbers = #tpu.dot_dimension_numbers<[1], [0], [0], [1], [0, 0, 1, 1], [], []>, transpose_lhs_hint = false} : vector<512x64xf32>, vector<64x512xf32>, vector<512x512xf32> -> vector<512x512xf32>
    %slice3A_595 = vector.extract_strided_slice %dot_general3A_594 {offsets = [0, 0], sizes = [512, 128], strides = [1, 1]} : vector<512x512xf32> to vector<512x128xf32>
    %slice3A_596 = vector.extract_strided_slice %dot_general3A_594 {offsets = [0, 0], sizes = [512, 128], strides = [1, 1]} : vector<512x512xf32> to vector<512x128xf32>
    %reduce_max3A_597 = arith.constant dense<0xFF800000> : vector<512xf32>
    %reduce_max3A_598 = vector.multi_reduction <maximumf>, %slice3A_596, %reduce_max3A_597 [1] : vector<512x128xf32> to vector<512xf32>
    %broadcast_in_dim3A_599 = vector.shape_cast %reduce_max3A_598 : vector<512xf32> to vector<512x1xf32>
    %ge3A_600 = vector.broadcast %broadcast_in_dim3A_599 : vector<512x1xf32> to vector<512x128xf32>
    %ge3A_601 = arith.cmpf oge, %slice3A_595, %ge3A_600 : vector<512x128xf32>
    %convert_element_type3A_602 = arith.extui %ge3A_601 : vector<512x128xi1> to vector<512x128xi32>
    %convert_element_type3A_603 = arith.sitofp %convert_element_type3A_602 : vector<512x128xi32> to vector<512x128xf32>
    %slice3A_604 = vector.extract_strided_slice %dot_general3A_594 {offsets = [0, 128], sizes = [512, 128], strides = [1, 1]} : vector<512x512xf32> to vector<512x128xf32>
    %slice3A_605 = vector.extract_strided_slice %dot_general3A_594 {offsets = [0, 128], sizes = [512, 128], strides = [1, 1]} : vector<512x512xf32> to vector<512x128xf32>
    %reduce_max3A_606 = arith.constant dense<0xFF800000> : vector<512xf32>
    %reduce_max3A_607 = vector.multi_reduction <maximumf>, %slice3A_605, %reduce_max3A_606 [1] : vector<512x128xf32> to vector<512xf32>
    %broadcast_in_dim3A_608 = vector.shape_cast %reduce_max3A_607 : vector<512xf32> to vector<512x1xf32>
    %ge3A_609 = vector.broadcast %broadcast_in_dim3A_608 : vector<512x1xf32> to vector<512x128xf32>
    %ge3A_610 = arith.cmpf oge, %slice3A_604, %ge3A_609 : vector<512x128xf32>
    %convert_element_type3A_611 = arith.extui %ge3A_610 : vector<512x128xi1> to vector<512x128xi32>
    %convert_element_type3A_612 = arith.sitofp %convert_element_type3A_611 : vector<512x128xi32> to vector<512x128xf32>
    %slice3A_613 = vector.extract_strided_slice %dot_general3A_594 {offsets = [0, 256], sizes = [512, 128], strides = [1, 1]} : vector<512x512xf32> to vector<512x128xf32>
    %slice3A_614 = vector.extract_strided_slice %dot_general3A_594 {offsets = [0, 256], sizes = [512, 128], strides = [1, 1]} : vector<512x512xf32> to vector<512x128xf32>
    %reduce_max3A_615 = arith.constant dense<0xFF800000> : vector<512xf32>
    %reduce_max3A_616 = vector.multi_reduction <maximumf>, %slice3A_614, %reduce_max3A_615 [1] : vector<512x128xf32> to vector<512xf32>
    %broadcast_in_dim3A_617 = vector.shape_cast %reduce_max3A_616 : vector<512xf32> to vector<512x1xf32>
    %ge3A_618 = vector.broadcast %broadcast_in_dim3A_617 : vector<512x1xf32> to vector<512x128xf32>
    %ge3A_619 = arith.cmpf oge, %slice3A_613, %ge3A_618 : vector<512x128xf32>
    %convert_element_type3A_620 = arith.extui %ge3A_619 : vector<512x128xi1> to vector<512x128xi32>
    %convert_element_type3A_621 = arith.sitofp %convert_element_type3A_620 : vector<512x128xi32> to vector<512x128xf32>
    %slice3A_622 = vector.extract_strided_slice %dot_general3A_594 {offsets = [0, 384], sizes = [512, 128], strides = [1, 1]} : vector<512x512xf32> to vector<512x128xf32>
    %slice3A_623 = vector.extract_strided_slice %dot_general3A_594 {offsets = [0, 384], sizes = [512, 128], strides = [1, 1]} : vector<512x512xf32> to vector<512x128xf32>
    %reduce_max3A_624 = arith.constant dense<0xFF800000> : vector<512xf32>
    %reduce_max3A_625 = vector.multi_reduction <maximumf>, %slice3A_623, %reduce_max3A_624 [1] : vector<512x128xf32> to vector<512xf32>
    %broadcast_in_dim3A_626 = vector.shape_cast %reduce_max3A_625 : vector<512xf32> to vector<512x1xf32>
    %ge3A_627 = vector.broadcast %broadcast_in_dim3A_626 : vector<512x1xf32> to vector<512x128xf32>
    %ge3A_628 = arith.cmpf oge, %slice3A_622, %ge3A_627 : vector<512x128xf32>
    %convert_element_type3A_629 = arith.extui %ge3A_628 : vector<512x128xi1> to vector<512x128xi32>
    %convert_element_type3A_630 = arith.sitofp %convert_element_type3A_629 : vector<512x128xi32> to vector<512x128xf32>
    %concatenate3A_631 = tpu.concatenate %convert_element_type3A_603, %convert_element_type3A_612, %convert_element_type3A_621, %convert_element_type3A_630 in 1 : vector<512x128xf32>, vector<512x128xf32>, vector<512x128xf32>, vector<512x128xf32> -> vector<512x512xf32>
    %get3A_632 = arith.constant 0 : index
    %get3A_633 = arith.constant 0 : index
    %get3A_634 = vector.load %arg5[%get3A_632, %get3A_633] : memref<512x4xf32, #tpu.memory_space<vmem>>, vector<512x4xf32>
    %dot_general3A_635 = arith.constant dense<0.000000e+00> : vector<512x4xf32>
    %dot_general3A_636 = tpu.matmul %concatenate3A_631, %get3A_634, %dot_general3A_635 {dimension_numbers = #tpu.dot_dimension_numbers<[1], [0], [0], [1], [0, 0, 1, 1], [], []>, transpose_lhs_hint = false} : vector<512x512xf32>, vector<512x4xf32>, vector<512x4xf32> -> vector<512x4xf32>
    %convert_element_type3A_637 = arith.fptosi %dot_general3A_636 : vector<512x4xf32> to vector<512x4xi32>
    %mul3A_638 = arith.constant 8192 : i32
    %mul3A_639 = vector.broadcast %mul3A_638 : i32 to vector<512x4xi32>
    %mul3A_640 = arith.muli %convert_element_type3A_637, %mul3A_639 : vector<512x4xi32>
    %add3A_641 = vector.broadcast %add3A_12 : vector<512x1xi32> to vector<512x4xi32>
    %add3A_642 = arith.addi %mul3A_640, %add3A_641 : vector<512x4xi32>
    %swap3A_643 = arith.constant 0 : index
    %swap3A_644 = arith.constant 36 : index
    %swap3A_645 = vector.load %arg7[%swap3A_643, %swap3A_644] : memref<512x48xi32, #tpu.memory_space<vmem>>, vector<512x4xi32>
    tpu.vector_store %arg7[%swap3A_643, %swap3A_644], %add3A_642 {strides = array<i32>} : memref<512x48xi32, #tpu.memory_space<vmem>>, vector<512x4xi32>,
    %slice3A_646 = vector.extract_strided_slice %dot_general3A_5 {offsets = [0, 640], sizes = [512, 64], strides = [1, 1]} : vector<512x768xf32> to vector<512x64xf32>
    %swap3A_647 = arith.constant 0 : index
    %swap3A_648 = arith.constant 1280 : index
    %swap3A_649 = vector.load %arg6[%swap3A_647, %swap3A_648] : memref<512x1536xf32, #tpu.memory_space<vmem>>, vector<512x64xf32>
    tpu.vector_store %arg6[%swap3A_647, %swap3A_648], %slice3A_646 {strides = array<i32>} : memref<512x1536xf32, #tpu.memory_space<vmem>>, vector<512x64xf32>,
    %slice3A_650 = vector.extract_strided_slice %dot_general3A_10 {offsets = [0, 640], sizes = [512, 64], strides = [1, 1]} : vector<512x768xf32> to vector<512x64xf32>
    %swap3A_651 = arith.constant 0 : index
    %swap3A_652 = arith.constant 1344 : index
    %swap3A_653 = vector.load %arg6[%swap3A_651, %swap3A_652] : memref<512x1536xf32, #tpu.memory_space<vmem>>, vector<512x64xf32>
    tpu.vector_store %arg6[%swap3A_651, %swap3A_652], %slice3A_650 {strides = array<i32>} : memref<512x1536xf32, #tpu.memory_space<vmem>>, vector<512x64xf32>,
    %get3A_654 = arith.constant 0 : index
    %get3A_655 = arith.constant 0 : index
    %get3A_656 = vector.load %arg4[%get3A_654, %get3A_655] : memref<64x512xf32, #tpu.memory_space<vmem>>, vector<64x512xf32>
    %dot_general3A_657 = arith.constant dense<0.000000e+00> : vector<512x512xf32>
    %dot_general3A_658 = tpu.matmul %slice3A_646, %get3A_656, %dot_general3A_657 {dimension_numbers = #tpu.dot_dimension_numbers<[1], [0], [0], [1], [0, 0, 1, 1], [], []>, transpose_lhs_hint = false} : vector<512x64xf32>, vector<64x512xf32>, vector<512x512xf32> -> vector<512x512xf32>
    %slice3A_659 = vector.extract_strided_slice %dot_general3A_658 {offsets = [0, 0], sizes = [512, 128], strides = [1, 1]} : vector<512x512xf32> to vector<512x128xf32>
    %slice3A_660 = vector.extract_strided_slice %dot_general3A_658 {offsets = [0, 0], sizes = [512, 128], strides = [1, 1]} : vector<512x512xf32> to vector<512x128xf32>
    %reduce_max3A_661 = arith.constant dense<0xFF800000> : vector<512xf32>
    %reduce_max3A_662 = vector.multi_reduction <maximumf>, %slice3A_660, %reduce_max3A_661 [1] : vector<512x128xf32> to vector<512xf32>
    %broadcast_in_dim3A_663 = vector.shape_cast %reduce_max3A_662 : vector<512xf32> to vector<512x1xf32>
    %ge3A_664 = vector.broadcast %broadcast_in_dim3A_663 : vector<512x1xf32> to vector<512x128xf32>
    %ge3A_665 = arith.cmpf oge, %slice3A_659, %ge3A_664 : vector<512x128xf32>
    %convert_element_type3A_666 = arith.extui %ge3A_665 : vector<512x128xi1> to vector<512x128xi32>
    %convert_element_type3A_667 = arith.sitofp %convert_element_type3A_666 : vector<512x128xi32> to vector<512x128xf32>
    %slice3A_668 = vector.extract_strided_slice %dot_general3A_658 {offsets = [0, 128], sizes = [512, 128], strides = [1, 1]} : vector<512x512xf32> to vector<512x128xf32>
    %slice3A_669 = vector.extract_strided_slice %dot_general3A_658 {offsets = [0, 128], sizes = [512, 128], strides = [1, 1]} : vector<512x512xf32> to vector<512x128xf32>
    %reduce_max3A_670 = arith.constant dense<0xFF800000> : vector<512xf32>
    %reduce_max3A_671 = vector.multi_reduction <maximumf>, %slice3A_669, %reduce_max3A_670 [1] : vector<512x128xf32> to vector<512xf32>
    %broadcast_in_dim3A_672 = vector.shape_cast %reduce_max3A_671 : vector<512xf32> to vector<512x1xf32>
    %ge3A_673 = vector.broadcast %broadcast_in_dim3A_672 : vector<512x1xf32> to vector<512x128xf32>
    %ge3A_674 = arith.cmpf oge, %slice3A_668, %ge3A_673 : vector<512x128xf32>
    %convert_element_type3A_675 = arith.extui %ge3A_674 : vector<512x128xi1> to vector<512x128xi32>
    %convert_element_type3A_676 = arith.sitofp %convert_element_type3A_675 : vector<512x128xi32> to vector<512x128xf32>
    %slice3A_677 = vector.extract_strided_slice %dot_general3A_658 {offsets = [0, 256], sizes = [512, 128], strides = [1, 1]} : vector<512x512xf32> to vector<512x128xf32>
    %slice3A_678 = vector.extract_strided_slice %dot_general3A_658 {offsets = [0, 256], sizes = [512, 128], strides = [1, 1]} : vector<512x512xf32> to vector<512x128xf32>
    %reduce_max3A_679 = arith.constant dense<0xFF800000> : vector<512xf32>
    %reduce_max3A_680 = vector.multi_reduction <maximumf>, %slice3A_678, %reduce_max3A_679 [1] : vector<512x128xf32> to vector<512xf32>
    %broadcast_in_dim3A_681 = vector.shape_cast %reduce_max3A_680 : vector<512xf32> to vector<512x1xf32>
    %ge3A_682 = vector.broadcast %broadcast_in_dim3A_681 : vector<512x1xf32> to vector<512x128xf32>
    %ge3A_683 = arith.cmpf oge, %slice3A_677, %ge3A_682 : vector<512x128xf32>
    %convert_element_type3A_684 = arith.extui %ge3A_683 : vector<512x128xi1> to vector<512x128xi32>
    %convert_element_type3A_685 = arith.sitofp %convert_element_type3A_684 : vector<512x128xi32> to vector<512x128xf32>
    %slice3A_686 = vector.extract_strided_slice %dot_general3A_658 {offsets = [0, 384], sizes = [512, 128], strides = [1, 1]} : vector<512x512xf32> to vector<512x128xf32>
    %slice3A_687 = vector.extract_strided_slice %dot_general3A_658 {offsets = [0, 384], sizes = [512, 128], strides = [1, 1]} : vector<512x512xf32> to vector<512x128xf32>
    %reduce_max3A_688 = arith.constant dense<0xFF800000> : vector<512xf32>
    %reduce_max3A_689 = vector.multi_reduction <maximumf>, %slice3A_687, %reduce_max3A_688 [1] : vector<512x128xf32> to vector<512xf32>
    %broadcast_in_dim3A_690 = vector.shape_cast %reduce_max3A_689 : vector<512xf32> to vector<512x1xf32>
    %ge3A_691 = vector.broadcast %broadcast_in_dim3A_690 : vector<512x1xf32> to vector<512x128xf32>
    %ge3A_692 = arith.cmpf oge, %slice3A_686, %ge3A_691 : vector<512x128xf32>
    %convert_element_type3A_693 = arith.extui %ge3A_692 : vector<512x128xi1> to vector<512x128xi32>
    %convert_element_type3A_694 = arith.sitofp %convert_element_type3A_693 : vector<512x128xi32> to vector<512x128xf32>
    %concatenate3A_695 = tpu.concatenate %convert_element_type3A_667, %convert_element_type3A_676, %convert_element_type3A_685, %convert_element_type3A_694 in 1 : vector<512x128xf32>, vector<512x128xf32>, vector<512x128xf32>, vector<512x128xf32> -> vector<512x512xf32>
    %get3A_696 = arith.constant 0 : index
    %get3A_697 = arith.constant 0 : index
    %get3A_698 = vector.load %arg5[%get3A_696, %get3A_697] : memref<512x4xf32, #tpu.memory_space<vmem>>, vector<512x4xf32>
    %dot_general3A_699 = arith.constant dense<0.000000e+00> : vector<512x4xf32>
    %dot_general3A_700 = tpu.matmul %concatenate3A_695, %get3A_698, %dot_general3A_699 {dimension_numbers = #tpu.dot_dimension_numbers<[1], [0], [0], [1], [0, 0, 1, 1], [], []>, transpose_lhs_hint = false} : vector<512x512xf32>, vector<512x4xf32>, vector<512x4xf32> -> vector<512x4xf32>
    %convert_element_type3A_701 = arith.fptosi %dot_general3A_700 : vector<512x4xf32> to vector<512x4xi32>
    %mul3A_702 = arith.constant 8192 : i32
    %mul3A_703 = vector.broadcast %mul3A_702 : i32 to vector<512x4xi32>
    %mul3A_704 = arith.muli %convert_element_type3A_701, %mul3A_703 : vector<512x4xi32>
    %add3A_705 = vector.broadcast %add3A_12 : vector<512x1xi32> to vector<512x4xi32>
    %add3A_706 = arith.addi %mul3A_704, %add3A_705 : vector<512x4xi32>
    %swap3A_707 = arith.constant 0 : index
    %swap3A_708 = arith.constant 40 : index
    %swap3A_709 = vector.load %arg7[%swap3A_707, %swap3A_708] : memref<512x48xi32, #tpu.memory_space<vmem>>, vector<512x4xi32>
    tpu.vector_store %arg7[%swap3A_707, %swap3A_708], %add3A_706 {strides = array<i32>} : memref<512x48xi32, #tpu.memory_space<vmem>>, vector<512x4xi32>,
    %slice3A_710 = vector.extract_strided_slice %dot_general3A_5 {offsets = [0, 704], sizes = [512, 64], strides = [1, 1]} : vector<512x768xf32> to vector<512x64xf32>
    %swap3A_711 = arith.constant 0 : index
    %swap3A_712 = arith.constant 1408 : index
    %swap3A_713 = vector.load %arg6[%swap3A_711, %swap3A_712] : memref<512x1536xf32, #tpu.memory_space<vmem>>, vector<512x64xf32>
    tpu.vector_store %arg6[%swap3A_711, %swap3A_712], %slice3A_710 {strides = array<i32>} : memref<512x1536xf32, #tpu.memory_space<vmem>>, vector<512x64xf32>,
    %slice3A_714 = vector.extract_strided_slice %dot_general3A_10 {offsets = [0, 704], sizes = [512, 64], strides = [1, 1]} : vector<512x768xf32> to vector<512x64xf32>
    %swap3A_715 = arith.constant 0 : index
    %swap3A_716 = arith.constant 1472 : index
    %swap3A_717 = vector.load %arg6[%swap3A_715, %swap3A_716] : memref<512x1536xf32, #tpu.memory_space<vmem>>, vector<512x64xf32>
    tpu.vector_store %arg6[%swap3A_715, %swap3A_716], %slice3A_714 {strides = array<i32>} : memref<512x1536xf32, #tpu.memory_space<vmem>>, vector<512x64xf32>,
    %get3A_718 = arith.constant 0 : index
    %get3A_719 = arith.constant 0 : index
    %get3A_720 = vector.load %arg4[%get3A_718, %get3A_719] : memref<64x512xf32, #tpu.memory_space<vmem>>, vector<64x512xf32>
    %dot_general3A_721 = arith.constant dense<0.000000e+00> : vector<512x512xf32>
    %dot_general3A_722 = tpu.matmul %slice3A_710, %get3A_720, %dot_general3A_721 {dimension_numbers = #tpu.dot_dimension_numbers<[1], [0], [0], [1], [0, 0, 1, 1], [], []>, transpose_lhs_hint = false} : vector<512x64xf32>, vector<64x512xf32>, vector<512x512xf32> -> vector<512x512xf32>
    %slice3A_723 = vector.extract_strided_slice %dot_general3A_722 {offsets = [0, 0], sizes = [512, 128], strides = [1, 1]} : vector<512x512xf32> to vector<512x128xf32>
    %slice3A_724 = vector.extract_strided_slice %dot_general3A_722 {offsets = [0, 0], sizes = [512, 128], strides = [1, 1]} : vector<512x512xf32> to vector<512x128xf32>
    %reduce_max3A_725 = arith.constant dense<0xFF800000> : vector<512xf32>
    %reduce_max3A_726 = vector.multi_reduction <maximumf>, %slice3A_724, %reduce_max3A_725 [1] : vector<512x128xf32> to vector<512xf32>
    %broadcast_in_dim3A_727 = vector.shape_cast %reduce_max3A_726 : vector<512xf32> to vector<512x1xf32>
    %ge3A_728 = vector.broadcast %broadcast_in_dim3A_727 : vector<512x1xf32> to vector<512x128xf32>
    %ge3A_729 = arith.cmpf oge, %slice3A_723, %ge3A_728 : vector<512x128xf32>
    %convert_element_type3A_730 = arith.extui %ge3A_729 : vector<512x128xi1> to vector<512x128xi32>
    %convert_element_type3A_731 = arith.sitofp %convert_element_type3A_730 : vector<512x128xi32> to vector<512x128xf32>
    %slice3A_732 = vector.extract_strided_slice %dot_general3A_722 {offsets = [0, 128], sizes = [512, 128], strides = [1, 1]} : vector<512x512xf32> to vector<512x128xf32>
    %slice3A_733 = vector.extract_strided_slice %dot_general3A_722 {offsets = [0, 128], sizes = [512, 128], strides = [1, 1]} : vector<512x512xf32> to vector<512x128xf32>
    %reduce_max3A_734 = arith.constant dense<0xFF800000> : vector<512xf32>
    %reduce_max3A_735 = vector.multi_reduction <maximumf>, %slice3A_733, %reduce_max3A_734 [1] : vector<512x128xf32> to vector<512xf32>
    %broadcast_in_dim3A_736 = vector.shape_cast %reduce_max3A_735 : vector<512xf32> to vector<512x1xf32>
    %ge3A_737 = vector.broadcast %broadcast_in_dim3A_736 : vector<512x1xf32> to vector<512x128xf32>
    %ge3A_738 = arith.cmpf oge, %slice3A_732, %ge3A_737 : vector<512x128xf32>
    %convert_element_type3A_739 = arith.extui %ge3A_738 : vector<512x128xi1> to vector<512x128xi32>
    %convert_element_type3A_740 = arith.sitofp %convert_element_type3A_739 : vector<512x128xi32> to vector<512x128xf32>
    %slice3A_741 = vector.extract_strided_slice %dot_general3A_722 {offsets = [0, 256], sizes = [512, 128], strides = [1, 1]} : vector<512x512xf32> to vector<512x128xf32>
    %slice3A_742 = vector.extract_strided_slice %dot_general3A_722 {offsets = [0, 256], sizes = [512, 128], strides = [1, 1]} : vector<512x512xf32> to vector<512x128xf32>
    %reduce_max3A_743 = arith.constant dense<0xFF800000> : vector<512xf32>
    %reduce_max3A_744 = vector.multi_reduction <maximumf>, %slice3A_742, %reduce_max3A_743 [1] : vector<512x128xf32> to vector<512xf32>
    %broadcast_in_dim3A_745 = vector.shape_cast %reduce_max3A_744 : vector<512xf32> to vector<512x1xf32>
    %ge3A_746 = vector.broadcast %broadcast_in_dim3A_745 : vector<512x1xf32> to vector<512x128xf32>
    %ge3A_747 = arith.cmpf oge, %slice3A_741, %ge3A_746 : vector<512x128xf32>
    %convert_element_type3A_748 = arith.extui %ge3A_747 : vector<512x128xi1> to vector<512x128xi32>
    %convert_element_type3A_749 = arith.sitofp %convert_element_type3A_748 : vector<512x128xi32> to vector<512x128xf32>
    %slice3A_750 = vector.extract_strided_slice %dot_general3A_722 {offsets = [0, 384], sizes = [512, 128], strides = [1, 1]} : vector<512x512xf32> to vector<512x128xf32>
    %slice3A_751 = vector.extract_strided_slice %dot_general3A_722 {offsets = [0, 384], sizes = [512, 128], strides = [1, 1]} : vector<512x512xf32> to vector<512x128xf32>
    %reduce_max3A_752 = arith.constant dense<0xFF800000> : vector<512xf32>
    %reduce_max3A_753 = vector.multi_reduction <maximumf>, %slice3A_751, %reduce_max3A_752 [1] : vector<512x128xf32> to vector<512xf32>
    %broadcast_in_dim3A_754 = vector.shape_cast %reduce_max3A_753 : vector<512xf32> to vector<512x1xf32>
    %ge3A_755 = vector.broadcast %broadcast_in_dim3A_754 : vector<512x1xf32> to vector<512x128xf32>
    %ge3A_756 = arith.cmpf oge, %slice3A_750, %ge3A_755 : vector<512x128xf32>
    %convert_element_type3A_757 = arith.extui %ge3A_756 : vector<512x128xi1> to vector<512x128xi32>
    %convert_element_type3A_758 = arith.sitofp %convert_element_type3A_757 : vector<512x128xi32> to vector<512x128xf32>
    %concatenate3A_759 = tpu.concatenate %convert_element_type3A_731, %convert_element_type3A_740, %convert_element_type3A_749, %convert_element_type3A_758 in 1 : vector<512x128xf32>, vector<512x128xf32>, vector<512x128xf32>, vector<512x128xf32> -> vector<512x512xf32>
    %get3A_760 = arith.constant 0 : index
    %get3A_761 = arith.constant 0 : index
    %get3A_762 = vector.load %arg5[%get3A_760, %get3A_761] : memref<512x4xf32, #tpu.memory_space<vmem>>, vector<512x4xf32>
    %dot_general3A_763 = arith.constant dense<0.000000e+00> : vector<512x4xf32>
    %dot_general3A_764 = tpu.matmul %concatenate3A_759, %get3A_762, %dot_general3A_763 {dimension_numbers = #tpu.dot_dimension_numbers<[1], [0], [0], [1], [0, 0, 1, 1], [], []>, transpose_lhs_hint = false} : vector<512x512xf32>, vector<512x4xf32>, vector<512x4xf32> -> vector<512x4xf32>
    %convert_element_type3A_765 = arith.fptosi %dot_general3A_764 : vector<512x4xf32> to vector<512x4xi32>
    %mul3A_766 = arith.constant 8192 : i32
    %mul3A_767 = vector.broadcast %mul3A_766 : i32 to vector<512x4xi32>
    %mul3A_768 = arith.muli %convert_element_type3A_765, %mul3A_767 : vector<512x4xi32>
    %add3A_769 = vector.broadcast %add3A_12 : vector<512x1xi32> to vector<512x4xi32>
    %add3A_770 = arith.addi %mul3A_768, %add3A_769 : vector<512x4xi32>
    %swap3A_771 = arith.constant 0 : index
    %swap3A_772 = arith.constant 44 : index
    %swap3A_773 = vector.load %arg7[%swap3A_771, %swap3A_772] : memref<512x48xi32, #tpu.memory_space<vmem>>, vector<512x4xi32>
    tpu.vector_store %arg7[%swap3A_771, %swap3A_772], %add3A_770 {strides = array<i32>} : memref<512x48xi32, #tpu.memory_space<vmem>>, vector<512x4xi32>,
    return
  }
  func.func @transform_0(%arg0: i32) -> (i32, i32) {
    %c0_i32 = arith.constant 0 : i32
    %c0_i32_0 = arith.constant 0 : i32
    return %arg0, %c0_i32 : i32, i32
  }
  func.func @transform_1(%arg0: i32) -> (i32, i32) {
    %c0_i32 = arith.constant 0 : i32
    %c0_i32_0 = arith.constant 0 : i32
    %c0_i32_1 = arith.constant 0 : i32
    return %c0_i32, %c0_i32_0 : i32, i32
  }
  func.func @transform_2(%arg0: i32) -> (i32, i32) {
    %c0_i32 = arith.constant 0 : i32
    %c0_i32_0 = arith.constant 0 : i32
    %c0_i32_1 = arith.constant 0 : i32
    return %c0_i32, %c0_i32_0 : i32, i32
  }
  func.func @transform_3(%arg0: i32) -> (i32, i32) {
    %c0_i32 = arith.constant 0 : i32
    %c0_i32_0 = arith.constant 0 : i32
    %c0_i32_1 = arith.constant 0 : i32
    return %c0_i32, %c0_i32_0 : i32, i32
  }
  func.func @transform_4(%arg0: i32) -> (i32, i32) {
    %c0_i32 = arith.constant 0 : i32
    %c0_i32_0 = arith.constant 0 : i32
    %c0_i32_1 = arith.constant 0 : i32
    return %c0_i32, %c0_i32_0 : i32, i32
  }
  func.func @transform_5(%arg0: i32) -> (i32, i32) {
    %c0_i32 = arith.constant 0 : i32
    %c0_i32_0 = arith.constant 0 : i32
    return %arg0, %c0_i32 : i32, i32
  }
  func.func @transform_6(%arg0: i32) -> (i32, i32) {
    %c0_i32 = arith.constant 0 : i32
    %c0_i32_0 = arith.constant 0 : i32
    return %arg0, %c0_i32 : i32, i32
  }
}

module attributes {stable_mosaic.version = 14 : i64} {
  func.func @_attn_body(%arg0: i32, %arg1: i32, %arg2: memref<1x1024x128xf32, #tpu.memory_space<vmem>>, %arg3: memref<1x64x128xf32, #tpu.memory_space<vmem>>, %arg4: memref<1x1x1x1024xi32, #tpu.memory_space<vmem>>, %arg5: memref<1x1x1x1024xi32, #tpu.memory_space<vmem>>, %arg6: memref<1x1x1024x1xi32, #tpu.memory_space<vmem>>, %arg7: memref<128x192xf32, #tpu.memory_space<vmem>>, %arg8: memref<1x1024x128xf32, #tpu.memory_space<vmem>>) attributes {dimension_semantics = [#tpu.dimension_semantics<arbitrary>, #tpu.dimension_semantics<arbitrary>], iteration_bounds = array<i64: 12, 32>, scalar_prefetch = 0 : i64, scratch_operands = 0 : i64, tpu.core_type = #tpu.core_type<tc>, window_params = [{transform_indices = @transform_0, window_bounds = array<i64: 1, 1024, 128>}, {transform_indices = @transform_1, window_bounds = array<i64: 1, 64, 128>}, {transform_indices = @transform_2, window_bounds = array<i64: 1, 1, 1, 1024>}, {transform_indices = @transform_3, window_bounds = array<i64: 1, 1, 1, 1024>}, {transform_indices = @transform_4, window_bounds = array<i64: 1, 1, 1024, 1>}, {pipeline_mode = #tpu.pipeline_mode<synchronous>, transform_indices = @transform_5, window_bounds = array<i64: 128, 192>}, {transform_indices = @transform_6, window_bounds = array<i64: 1, 1024, 128>}]} {
    %get3A = arith.constant 0 : index
    %get3A_0 = arith.constant 0 : index
    %get3A_1 = arith.constant 0 : index
    %get3A_2 = vector.load %arg2[%get3A, %get3A_0, %get3A_1] : memref<1x1024x128xf32, #tpu.memory_space<vmem>>, vector<1x1024x128xf32>
    %get3A_3 = vector.shape_cast %get3A_2 : vector<1x1024x128xf32> to vector<1024x128xf32>
    %get3A_4 = arith.constant 0 : index
    %get3A_5 = arith.constant 0 : index
    %get3A_6 = arith.constant 0 : index
    %get3A_7 = vector.load %arg3[%get3A_4, %get3A_5, %get3A_6] : memref<1x64x128xf32, #tpu.memory_space<vmem>>, vector<1x64x128xf32>
    %get3A_8 = vector.shape_cast %get3A_7 : vector<1x64x128xf32> to vector<64x128xf32>
    %get3A_9 = arith.constant 0 : index
    %get3A_10 = arith.constant 0 : index
    %get3A_11 = arith.constant 0 : index
    %get3A_12 = arith.constant 0 : index
    %get3A_13 = vector.load %arg4[%get3A_9, %get3A_10, %get3A_11, %get3A_12] : memref<1x1x1x1024xi32, #tpu.memory_space<vmem>>, vector<1x1x1x1024xi32>
    %get3A_14 = vector.shape_cast %get3A_13 : vector<1x1x1x1024xi32> to vector<1x1024xi32>
    %get3A_15 = arith.constant 0 : index
    %get3A_16 = arith.constant 0 : index
    %get3A_17 = arith.constant 0 : index
    %get3A_18 = arith.constant 0 : index
    %get3A_19 = vector.load %arg5[%get3A_15, %get3A_16, %get3A_17, %get3A_18] : memref<1x1x1x1024xi32, #tpu.memory_space<vmem>>, vector<1x1x1x1024xi32>
    %get3A_20 = vector.shape_cast %get3A_19 : vector<1x1x1x1024xi32> to vector<1x1024xi32>
    %get3A_21 = arith.constant 0 : index
    %get3A_22 = arith.constant 0 : index
    %get3A_23 = arith.constant 0 : index
    %get3A_24 = arith.constant 0 : index
    %get3A_25 = vector.load %arg6[%get3A_21, %get3A_22, %get3A_23, %get3A_24] : memref<1x1x1024x1xi32, #tpu.memory_space<vmem>>, vector<1x1x1024x1xi32>
    %get3A_26 = vector.shape_cast %get3A_25 : vector<1x1x1024x1xi32> to vector<1024x1xi32>
    %get3A_27 = arith.constant 0 : index
    %get3A_28 = arith.constant 0 : index
    %get3A_29 = vector.load %arg7[%get3A_27, %get3A_28] : memref<128x192xf32, #tpu.memory_space<vmem>>, vector<128x192xf32>
    %concatenate3A = tpu.concatenate %get3A_8, %get3A_3 in 0 : vector<64x128xf32>, vector<1024x128xf32> -> vector<1088x128xf32>
    %slice3A = vector.extract_strided_slice %concatenate3A {offsets = [0, 0], sizes = [1088, 64], strides = [1, 1]} : vector<1088x128xf32> to vector<1088x64xf32>
    %mul3A = arith.mulf %slice3A, %slice3A : vector<1088x64xf32>
    %reduce_sum3A = arith.constant dense<0.000000e+00> : vector<1088xf32>
    %reduce_sum3A_30 = vector.multi_reduction <add>, %mul3A, %reduce_sum3A [1] : vector<1088x64xf32> to vector<1088xf32>
    %broadcast_in_dim3A = vector.shape_cast %reduce_sum3A_30 : vector<1088xf32> to vector<1088x1xf32>
    %sqrt3A = math.sqrt %broadcast_in_dim3A : vector<1088x1xf32>
    %max3A = arith.constant 9.99999997E-7 : f32
    %max3A_31 = vector.broadcast %max3A : f32 to vector<1088x1xf32>
    %max3A_32 = arith.maximumf %sqrt3A, %max3A_31 : vector<1088x1xf32>
    %div3A = vector.broadcast %max3A_32 : vector<1088x1xf32> to vector<1088x64xf32>
    %div3A_33 = arith.divf %slice3A, %div3A : vector<1088x64xf32>
    %slice3A_34 = vector.extract_strided_slice %get3A_20 {offsets = [0, 960], sizes = [1, 64], strides = [1, 1]} : vector<1x1024xi32> to vector<1x64xi32>
    %concatenate3A_35 = tpu.concatenate %slice3A_34, %get3A_14 in 1 : vector<1x64xi32>, vector<1x1024xi32> -> vector<1x1088xi32>
    %slice3A_36 = vector.extract_strided_slice %get3A_3 {offsets = [0, 0], sizes = [128, 64], strides = [1, 1]} : vector<1024x128xf32> to vector<128x64xf32>
    %slice3A_37 = vector.extract_strided_slice %div3A_33 {offsets = [0, 0], sizes = [192, 64], strides = [1, 1]} : vector<1088x64xf32> to vector<192x64xf32>
    %slice3A_38 = vector.extract_strided_slice %concatenate3A {offsets = [0, 64], sizes = [192, 64], strides = [1, 1]} : vector<1088x128xf32> to vector<192x64xf32>
    %dot_general3A = arith.constant dense<0.000000e+00> : vector<128x192xf32>
    %dot_general3A_39 = tpu.matmul %slice3A_36, %slice3A_37, %dot_general3A {dimension_numbers = #tpu.dot_dimension_numbers<[1], [1], [0], [0], [0, 0, 1, 0], [], []>, transpose_lhs_hint = false} : vector<128x64xf32>, vector<192x64xf32>, vector<128x192xf32> -> vector<128x192xf32>
    %mul3A_40 = arith.constant 1.250000e-01 : f32
    %mul3A_41 = vector.broadcast %mul3A_40 : f32 to vector<128x192xf32>
    %mul3A_42 = arith.mulf %dot_general3A_39, %mul3A_41 : vector<128x192xf32>
    %slice3A_43 = vector.extract_strided_slice %get3A_26 {offsets = [0, 0], sizes = [128, 1], strides = [1, 1]} : vector<1024x1xi32> to vector<128x1xi32>
    %slice3A_44 = vector.extract_strided_slice %concatenate3A_35 {offsets = [0, 0], sizes = [1, 192], strides = [1, 1]} : vector<1x1088xi32> to vector<1x192xi32>
    %eq3A = vector.broadcast %slice3A_43 : vector<128x1xi32> to vector<128x192xi32>
    %eq3A_45 = vector.broadcast %slice3A_44 : vector<1x192xi32> to vector<128x192xi32>
    %eq3A_46 = arith.cmpi eq, %eq3A, %eq3A_45 : vector<128x192xi32>
    %sub3A = arith.constant 1.000000e+05 : f32
    %sub3A_47 = vector.broadcast %sub3A : f32 to vector<128x192xf32>
    %sub3A_48 = arith.subf %mul3A_42, %sub3A_47 : vector<128x192xf32>
    %select_n3A = arith.select %eq3A_46, %sub3A_48, %mul3A_42 : vector<128x192xi1>, vector<128x192xf32>
    %add3A = arith.addf %select_n3A, %get3A_29 : vector<128x192xf32>
    %reduce_max3A = arith.constant dense<0xFF800000> : vector<128xf32>
    %reduce_max3A_49 = vector.multi_reduction <maximumf>, %add3A, %reduce_max3A [1] : vector<128x192xf32> to vector<128xf32>
    %broadcast_in_dim3A_50 = vector.shape_cast %reduce_max3A_49 : vector<128xf32> to vector<128x1xf32>
    %sub3A_51 = vector.broadcast %broadcast_in_dim3A_50 : vector<128x1xf32> to vector<128x192xf32>
    %sub3A_52 = arith.subf %add3A, %sub3A_51 : vector<128x192xf32>
    %exp3A = math.exp %sub3A_52 : vector<128x192xf32>
    %reduce_sum3A_53 = arith.constant dense<0.000000e+00> : vector<128xf32>
    %reduce_sum3A_54 = vector.multi_reduction <add>, %exp3A, %reduce_sum3A_53 [1] : vector<128x192xf32> to vector<128xf32>
    %broadcast_in_dim3A_55 = vector.shape_cast %reduce_sum3A_54 : vector<128xf32> to vector<128x1xf32>
    %dot_general3A_56 = arith.constant dense<0.000000e+00> : vector<128x64xf32>
    %dot_general3A_57 = tpu.matmul %exp3A, %slice3A_38, %dot_general3A_56 {dimension_numbers = #tpu.dot_dimension_numbers<[1], [0], [0], [1], [0, 0, 1, 1], [], []>, transpose_lhs_hint = false} : vector<128x192xf32>, vector<192x64xf32>, vector<128x64xf32> -> vector<128x64xf32>
    %div3A_58 = vector.broadcast %broadcast_in_dim3A_55 : vector<128x1xf32> to vector<128x64xf32>
    %div3A_59 = arith.divf %dot_general3A_57, %div3A_58 : vector<128x64xf32>
    %swap3A = arith.constant 0 : index
    %swap3A_60 = arith.constant 0 : index
    %swap3A_61 = arith.constant 0 : index
    %swap3A_62 = vector.load %arg8[%swap3A, %swap3A_60, %swap3A_61] : memref<1x1024x128xf32, #tpu.memory_space<vmem>>, vector<1x128x64xf32>
    %swap3A_63 = vector.shape_cast %swap3A_62 : vector<1x128x64xf32> to vector<128x64xf32>
    %swap3A_64 = vector.shape_cast %div3A_59 : vector<128x64xf32> to vector<1x128x64xf32>
    tpu.vector_store %arg8[%swap3A, %swap3A_60, %swap3A_61], %swap3A_64 {strides = array<i32>} : memref<1x1024x128xf32, #tpu.memory_space<vmem>>, vector<1x128x64xf32>,
    %log3A = math.log %broadcast_in_dim3A_55 : vector<128x1xf32>
    %add3A_65 = arith.addf %broadcast_in_dim3A_50, %log3A : vector<128x1xf32>
    %swap3A_66 = arith.constant 0 : index
    %swap3A_67 = arith.constant 0 : index
    %swap3A_68 = arith.constant 64 : index
    %swap3A_69 = vector.load %arg8[%swap3A_66, %swap3A_67, %swap3A_68] : memref<1x1024x128xf32, #tpu.memory_space<vmem>>, vector<1x128x1xf32>
    %swap3A_70 = vector.shape_cast %swap3A_69 : vector<1x128x1xf32> to vector<128x1xf32>
    %swap3A_71 = vector.shape_cast %add3A_65 : vector<128x1xf32> to vector<1x128x1xf32>
    tpu.vector_store %arg8[%swap3A_66, %swap3A_67, %swap3A_68], %swap3A_71 {strides = array<i32>} : memref<1x1024x128xf32, #tpu.memory_space<vmem>>, vector<1x128x1xf32>,
    %slice3A_72 = vector.extract_strided_slice %get3A_3 {offsets = [128, 0], sizes = [128, 64], strides = [1, 1]} : vector<1024x128xf32> to vector<128x64xf32>
    %slice3A_73 = vector.extract_strided_slice %div3A_33 {offsets = [128, 0], sizes = [192, 64], strides = [1, 1]} : vector<1088x64xf32> to vector<192x64xf32>
    %slice3A_74 = vector.extract_strided_slice %concatenate3A {offsets = [128, 64], sizes = [192, 64], strides = [1, 1]} : vector<1088x128xf32> to vector<192x64xf32>
    %dot_general3A_75 = arith.constant dense<0.000000e+00> : vector<128x192xf32>
    %dot_general3A_76 = tpu.matmul %slice3A_72, %slice3A_73, %dot_general3A_75 {dimension_numbers = #tpu.dot_dimension_numbers<[1], [1], [0], [0], [0, 0, 1, 0], [], []>, transpose_lhs_hint = false} : vector<128x64xf32>, vector<192x64xf32>, vector<128x192xf32> -> vector<128x192xf32>
    %mul3A_77 = arith.constant 1.250000e-01 : f32
    %mul3A_78 = vector.broadcast %mul3A_77 : f32 to vector<128x192xf32>
    %mul3A_79 = arith.mulf %dot_general3A_76, %mul3A_78 : vector<128x192xf32>
    %slice3A_80 = vector.extract_strided_slice %get3A_26 {offsets = [128, 0], sizes = [128, 1], strides = [1, 1]} : vector<1024x1xi32> to vector<128x1xi32>
    %slice3A_81 = vector.extract_strided_slice %concatenate3A_35 {offsets = [0, 128], sizes = [1, 192], strides = [1, 1]} : vector<1x1088xi32> to vector<1x192xi32>
    %eq3A_82 = vector.broadcast %slice3A_80 : vector<128x1xi32> to vector<128x192xi32>
    %eq3A_83 = vector.broadcast %slice3A_81 : vector<1x192xi32> to vector<128x192xi32>
    %eq3A_84 = arith.cmpi eq, %eq3A_82, %eq3A_83 : vector<128x192xi32>
    %sub3A_85 = arith.constant 1.000000e+05 : f32
    %sub3A_86 = vector.broadcast %sub3A_85 : f32 to vector<128x192xf32>
    %sub3A_87 = arith.subf %mul3A_79, %sub3A_86 : vector<128x192xf32>
    %select_n3A_88 = arith.select %eq3A_84, %sub3A_87, %mul3A_79 : vector<128x192xi1>, vector<128x192xf32>
    %add3A_89 = arith.addf %select_n3A_88, %get3A_29 : vector<128x192xf32>
    %reduce_max3A_90 = arith.constant dense<0xFF800000> : vector<128xf32>
    %reduce_max3A_91 = vector.multi_reduction <maximumf>, %add3A_89, %reduce_max3A_90 [1] : vector<128x192xf32> to vector<128xf32>
    %broadcast_in_dim3A_92 = vector.shape_cast %reduce_max3A_91 : vector<128xf32> to vector<128x1xf32>
    %sub3A_93 = vector.broadcast %broadcast_in_dim3A_92 : vector<128x1xf32> to vector<128x192xf32>
    %sub3A_94 = arith.subf %add3A_89, %sub3A_93 : vector<128x192xf32>
    %exp3A_95 = math.exp %sub3A_94 : vector<128x192xf32>
    %reduce_sum3A_96 = arith.constant dense<0.000000e+00> : vector<128xf32>
    %reduce_sum3A_97 = vector.multi_reduction <add>, %exp3A_95, %reduce_sum3A_96 [1] : vector<128x192xf32> to vector<128xf32>
    %broadcast_in_dim3A_98 = vector.shape_cast %reduce_sum3A_97 : vector<128xf32> to vector<128x1xf32>
    %dot_general3A_99 = arith.constant dense<0.000000e+00> : vector<128x64xf32>
    %dot_general3A_100 = tpu.matmul %exp3A_95, %slice3A_74, %dot_general3A_99 {dimension_numbers = #tpu.dot_dimension_numbers<[1], [0], [0], [1], [0, 0, 1, 1], [], []>, transpose_lhs_hint = false} : vector<128x192xf32>, vector<192x64xf32>, vector<128x64xf32> -> vector<128x64xf32>
    %div3A_101 = vector.broadcast %broadcast_in_dim3A_98 : vector<128x1xf32> to vector<128x64xf32>
    %div3A_102 = arith.divf %dot_general3A_100, %div3A_101 : vector<128x64xf32>
    %swap3A_103 = arith.constant 0 : index
    %swap3A_104 = arith.constant 128 : index
    %swap3A_105 = arith.constant 0 : index
    %swap3A_106 = vector.load %arg8[%swap3A_103, %swap3A_104, %swap3A_105] : memref<1x1024x128xf32, #tpu.memory_space<vmem>>, vector<1x128x64xf32>
    %swap3A_107 = vector.shape_cast %swap3A_106 : vector<1x128x64xf32> to vector<128x64xf32>
    %swap3A_108 = vector.shape_cast %div3A_102 : vector<128x64xf32> to vector<1x128x64xf32>
    tpu.vector_store %arg8[%swap3A_103, %swap3A_104, %swap3A_105], %swap3A_108 {strides = array<i32>} : memref<1x1024x128xf32, #tpu.memory_space<vmem>>, vector<1x128x64xf32>,
    %log3A_109 = math.log %broadcast_in_dim3A_98 : vector<128x1xf32>
    %add3A_110 = arith.addf %broadcast_in_dim3A_92, %log3A_109 : vector<128x1xf32>
    %swap3A_111 = arith.constant 0 : index
    %swap3A_112 = arith.constant 128 : index
    %swap3A_113 = arith.constant 64 : index
    %swap3A_114 = vector.load %arg8[%swap3A_111, %swap3A_112, %swap3A_113] : memref<1x1024x128xf32, #tpu.memory_space<vmem>>, vector<1x128x1xf32>
    %swap3A_115 = vector.shape_cast %swap3A_114 : vector<1x128x1xf32> to vector<128x1xf32>
    %swap3A_116 = vector.shape_cast %add3A_110 : vector<128x1xf32> to vector<1x128x1xf32>
    tpu.vector_store %arg8[%swap3A_111, %swap3A_112, %swap3A_113], %swap3A_116 {strides = array<i32>} : memref<1x1024x128xf32, #tpu.memory_space<vmem>>, vector<1x128x1xf32>,
    %slice3A_117 = vector.extract_strided_slice %get3A_3 {offsets = [256, 0], sizes = [128, 64], strides = [1, 1]} : vector<1024x128xf32> to vector<128x64xf32>
    %slice3A_118 = vector.extract_strided_slice %div3A_33 {offsets = [256, 0], sizes = [192, 64], strides = [1, 1]} : vector<1088x64xf32> to vector<192x64xf32>
    %slice3A_119 = vector.extract_strided_slice %concatenate3A {offsets = [256, 64], sizes = [192, 64], strides = [1, 1]} : vector<1088x128xf32> to vector<192x64xf32>
    %dot_general3A_120 = arith.constant dense<0.000000e+00> : vector<128x192xf32>
    %dot_general3A_121 = tpu.matmul %slice3A_117, %slice3A_118, %dot_general3A_120 {dimension_numbers = #tpu.dot_dimension_numbers<[1], [1], [0], [0], [0, 0, 1, 0], [], []>, transpose_lhs_hint = false} : vector<128x64xf32>, vector<192x64xf32>, vector<128x192xf32> -> vector<128x192xf32>
    %mul3A_122 = arith.constant 1.250000e-01 : f32
    %mul3A_123 = vector.broadcast %mul3A_122 : f32 to vector<128x192xf32>
    %mul3A_124 = arith.mulf %dot_general3A_121, %mul3A_123 : vector<128x192xf32>
    %slice3A_125 = vector.extract_strided_slice %get3A_26 {offsets = [256, 0], sizes = [128, 1], strides = [1, 1]} : vector<1024x1xi32> to vector<128x1xi32>
    %slice3A_126 = vector.extract_strided_slice %concatenate3A_35 {offsets = [0, 256], sizes = [1, 192], strides = [1, 1]} : vector<1x1088xi32> to vector<1x192xi32>
    %eq3A_127 = vector.broadcast %slice3A_125 : vector<128x1xi32> to vector<128x192xi32>
    %eq3A_128 = vector.broadcast %slice3A_126 : vector<1x192xi32> to vector<128x192xi32>
    %eq3A_129 = arith.cmpi eq, %eq3A_127, %eq3A_128 : vector<128x192xi32>
    %sub3A_130 = arith.constant 1.000000e+05 : f32
    %sub3A_131 = vector.broadcast %sub3A_130 : f32 to vector<128x192xf32>
    %sub3A_132 = arith.subf %mul3A_124, %sub3A_131 : vector<128x192xf32>
    %select_n3A_133 = arith.select %eq3A_129, %sub3A_132, %mul3A_124 : vector<128x192xi1>, vector<128x192xf32>
    %add3A_134 = arith.addf %select_n3A_133, %get3A_29 : vector<128x192xf32>
    %reduce_max3A_135 = arith.constant dense<0xFF800000> : vector<128xf32>
    %reduce_max3A_136 = vector.multi_reduction <maximumf>, %add3A_134, %reduce_max3A_135 [1] : vector<128x192xf32> to vector<128xf32>
    %broadcast_in_dim3A_137 = vector.shape_cast %reduce_max3A_136 : vector<128xf32> to vector<128x1xf32>
    %sub3A_138 = vector.broadcast %broadcast_in_dim3A_137 : vector<128x1xf32> to vector<128x192xf32>
    %sub3A_139 = arith.subf %add3A_134, %sub3A_138 : vector<128x192xf32>
    %exp3A_140 = math.exp %sub3A_139 : vector<128x192xf32>
    %reduce_sum3A_141 = arith.constant dense<0.000000e+00> : vector<128xf32>
    %reduce_sum3A_142 = vector.multi_reduction <add>, %exp3A_140, %reduce_sum3A_141 [1] : vector<128x192xf32> to vector<128xf32>
    %broadcast_in_dim3A_143 = vector.shape_cast %reduce_sum3A_142 : vector<128xf32> to vector<128x1xf32>
    %dot_general3A_144 = arith.constant dense<0.000000e+00> : vector<128x64xf32>
    %dot_general3A_145 = tpu.matmul %exp3A_140, %slice3A_119, %dot_general3A_144 {dimension_numbers = #tpu.dot_dimension_numbers<[1], [0], [0], [1], [0, 0, 1, 1], [], []>, transpose_lhs_hint = false} : vector<128x192xf32>, vector<192x64xf32>, vector<128x64xf32> -> vector<128x64xf32>
    %div3A_146 = vector.broadcast %broadcast_in_dim3A_143 : vector<128x1xf32> to vector<128x64xf32>
    %div3A_147 = arith.divf %dot_general3A_145, %div3A_146 : vector<128x64xf32>
    %swap3A_148 = arith.constant 0 : index
    %swap3A_149 = arith.constant 256 : index
    %swap3A_150 = arith.constant 0 : index
    %swap3A_151 = vector.load %arg8[%swap3A_148, %swap3A_149, %swap3A_150] : memref<1x1024x128xf32, #tpu.memory_space<vmem>>, vector<1x128x64xf32>
    %swap3A_152 = vector.shape_cast %swap3A_151 : vector<1x128x64xf32> to vector<128x64xf32>
    %swap3A_153 = vector.shape_cast %div3A_147 : vector<128x64xf32> to vector<1x128x64xf32>
    tpu.vector_store %arg8[%swap3A_148, %swap3A_149, %swap3A_150], %swap3A_153 {strides = array<i32>} : memref<1x1024x128xf32, #tpu.memory_space<vmem>>, vector<1x128x64xf32>,
    %log3A_154 = math.log %broadcast_in_dim3A_143 : vector<128x1xf32>
    %add3A_155 = arith.addf %broadcast_in_dim3A_137, %log3A_154 : vector<128x1xf32>
    %swap3A_156 = arith.constant 0 : index
    %swap3A_157 = arith.constant 256 : index
    %swap3A_158 = arith.constant 64 : index
    %swap3A_159 = vector.load %arg8[%swap3A_156, %swap3A_157, %swap3A_158] : memref<1x1024x128xf32, #tpu.memory_space<vmem>>, vector<1x128x1xf32>
    %swap3A_160 = vector.shape_cast %swap3A_159 : vector<1x128x1xf32> to vector<128x1xf32>
    %swap3A_161 = vector.shape_cast %add3A_155 : vector<128x1xf32> to vector<1x128x1xf32>
    tpu.vector_store %arg8[%swap3A_156, %swap3A_157, %swap3A_158], %swap3A_161 {strides = array<i32>} : memref<1x1024x128xf32, #tpu.memory_space<vmem>>, vector<1x128x1xf32>,
    %slice3A_162 = vector.extract_strided_slice %get3A_3 {offsets = [384, 0], sizes = [128, 64], strides = [1, 1]} : vector<1024x128xf32> to vector<128x64xf32>
    %slice3A_163 = vector.extract_strided_slice %div3A_33 {offsets = [384, 0], sizes = [192, 64], strides = [1, 1]} : vector<1088x64xf32> to vector<192x64xf32>
    %slice3A_164 = vector.extract_strided_slice %concatenate3A {offsets = [384, 64], sizes = [192, 64], strides = [1, 1]} : vector<1088x128xf32> to vector<192x64xf32>
    %dot_general3A_165 = arith.constant dense<0.000000e+00> : vector<128x192xf32>
    %dot_general3A_166 = tpu.matmul %slice3A_162, %slice3A_163, %dot_general3A_165 {dimension_numbers = #tpu.dot_dimension_numbers<[1], [1], [0], [0], [0, 0, 1, 0], [], []>, transpose_lhs_hint = false} : vector<128x64xf32>, vector<192x64xf32>, vector<128x192xf32> -> vector<128x192xf32>
    %mul3A_167 = arith.constant 1.250000e-01 : f32
    %mul3A_168 = vector.broadcast %mul3A_167 : f32 to vector<128x192xf32>
    %mul3A_169 = arith.mulf %dot_general3A_166, %mul3A_168 : vector<128x192xf32>
    %slice3A_170 = vector.extract_strided_slice %get3A_26 {offsets = [384, 0], sizes = [128, 1], strides = [1, 1]} : vector<1024x1xi32> to vector<128x1xi32>
    %slice3A_171 = vector.extract_strided_slice %concatenate3A_35 {offsets = [0, 384], sizes = [1, 192], strides = [1, 1]} : vector<1x1088xi32> to vector<1x192xi32>
    %eq3A_172 = vector.broadcast %slice3A_170 : vector<128x1xi32> to vector<128x192xi32>
    %eq3A_173 = vector.broadcast %slice3A_171 : vector<1x192xi32> to vector<128x192xi32>
    %eq3A_174 = arith.cmpi eq, %eq3A_172, %eq3A_173 : vector<128x192xi32>
    %sub3A_175 = arith.constant 1.000000e+05 : f32
    %sub3A_176 = vector.broadcast %sub3A_175 : f32 to vector<128x192xf32>
    %sub3A_177 = arith.subf %mul3A_169, %sub3A_176 : vector<128x192xf32>
    %select_n3A_178 = arith.select %eq3A_174, %sub3A_177, %mul3A_169 : vector<128x192xi1>, vector<128x192xf32>
    %add3A_179 = arith.addf %select_n3A_178, %get3A_29 : vector<128x192xf32>
    %reduce_max3A_180 = arith.constant dense<0xFF800000> : vector<128xf32>
    %reduce_max3A_181 = vector.multi_reduction <maximumf>, %add3A_179, %reduce_max3A_180 [1] : vector<128x192xf32> to vector<128xf32>
    %broadcast_in_dim3A_182 = vector.shape_cast %reduce_max3A_181 : vector<128xf32> to vector<128x1xf32>
    %sub3A_183 = vector.broadcast %broadcast_in_dim3A_182 : vector<128x1xf32> to vector<128x192xf32>
    %sub3A_184 = arith.subf %add3A_179, %sub3A_183 : vector<128x192xf32>
    %exp3A_185 = math.exp %sub3A_184 : vector<128x192xf32>
    %reduce_sum3A_186 = arith.constant dense<0.000000e+00> : vector<128xf32>
    %reduce_sum3A_187 = vector.multi_reduction <add>, %exp3A_185, %reduce_sum3A_186 [1] : vector<128x192xf32> to vector<128xf32>
    %broadcast_in_dim3A_188 = vector.shape_cast %reduce_sum3A_187 : vector<128xf32> to vector<128x1xf32>
    %dot_general3A_189 = arith.constant dense<0.000000e+00> : vector<128x64xf32>
    %dot_general3A_190 = tpu.matmul %exp3A_185, %slice3A_164, %dot_general3A_189 {dimension_numbers = #tpu.dot_dimension_numbers<[1], [0], [0], [1], [0, 0, 1, 1], [], []>, transpose_lhs_hint = false} : vector<128x192xf32>, vector<192x64xf32>, vector<128x64xf32> -> vector<128x64xf32>
    %div3A_191 = vector.broadcast %broadcast_in_dim3A_188 : vector<128x1xf32> to vector<128x64xf32>
    %div3A_192 = arith.divf %dot_general3A_190, %div3A_191 : vector<128x64xf32>
    %swap3A_193 = arith.constant 0 : index
    %swap3A_194 = arith.constant 384 : index
    %swap3A_195 = arith.constant 0 : index
    %swap3A_196 = vector.load %arg8[%swap3A_193, %swap3A_194, %swap3A_195] : memref<1x1024x128xf32, #tpu.memory_space<vmem>>, vector<1x128x64xf32>
    %swap3A_197 = vector.shape_cast %swap3A_196 : vector<1x128x64xf32> to vector<128x64xf32>
    %swap3A_198 = vector.shape_cast %div3A_192 : vector<128x64xf32> to vector<1x128x64xf32>
    tpu.vector_store %arg8[%swap3A_193, %swap3A_194, %swap3A_195], %swap3A_198 {strides = array<i32>} : memref<1x1024x128xf32, #tpu.memory_space<vmem>>, vector<1x128x64xf32>,
    %log3A_199 = math.log %broadcast_in_dim3A_188 : vector<128x1xf32>
    %add3A_200 = arith.addf %broadcast_in_dim3A_182, %log3A_199 : vector<128x1xf32>
    %swap3A_201 = arith.constant 0 : index
    %swap3A_202 = arith.constant 384 : index
    %swap3A_203 = arith.constant 64 : index
    %swap3A_204 = vector.load %arg8[%swap3A_201, %swap3A_202, %swap3A_203] : memref<1x1024x128xf32, #tpu.memory_space<vmem>>, vector<1x128x1xf32>
    %swap3A_205 = vector.shape_cast %swap3A_204 : vector<1x128x1xf32> to vector<128x1xf32>
    %swap3A_206 = vector.shape_cast %add3A_200 : vector<128x1xf32> to vector<1x128x1xf32>
    tpu.vector_store %arg8[%swap3A_201, %swap3A_202, %swap3A_203], %swap3A_206 {strides = array<i32>} : memref<1x1024x128xf32, #tpu.memory_space<vmem>>, vector<1x128x1xf32>,
    %slice3A_207 = vector.extract_strided_slice %get3A_3 {offsets = [512, 0], sizes = [128, 64], strides = [1, 1]} : vector<1024x128xf32> to vector<128x64xf32>
    %slice3A_208 = vector.extract_strided_slice %div3A_33 {offsets = [512, 0], sizes = [192, 64], strides = [1, 1]} : vector<1088x64xf32> to vector<192x64xf32>
    %slice3A_209 = vector.extract_strided_slice %concatenate3A {offsets = [512, 64], sizes = [192, 64], strides = [1, 1]} : vector<1088x128xf32> to vector<192x64xf32>
    %dot_general3A_210 = arith.constant dense<0.000000e+00> : vector<128x192xf32>
    %dot_general3A_211 = tpu.matmul %slice3A_207, %slice3A_208, %dot_general3A_210 {dimension_numbers = #tpu.dot_dimension_numbers<[1], [1], [0], [0], [0, 0, 1, 0], [], []>, transpose_lhs_hint = false} : vector<128x64xf32>, vector<192x64xf32>, vector<128x192xf32> -> vector<128x192xf32>
    %mul3A_212 = arith.constant 1.250000e-01 : f32
    %mul3A_213 = vector.broadcast %mul3A_212 : f32 to vector<128x192xf32>
    %mul3A_214 = arith.mulf %dot_general3A_211, %mul3A_213 : vector<128x192xf32>
    %slice3A_215 = vector.extract_strided_slice %get3A_26 {offsets = [512, 0], sizes = [128, 1], strides = [1, 1]} : vector<1024x1xi32> to vector<128x1xi32>
    %slice3A_216 = vector.extract_strided_slice %concatenate3A_35 {offsets = [0, 512], sizes = [1, 192], strides = [1, 1]} : vector<1x1088xi32> to vector<1x192xi32>
    %eq3A_217 = vector.broadcast %slice3A_215 : vector<128x1xi32> to vector<128x192xi32>
    %eq3A_218 = vector.broadcast %slice3A_216 : vector<1x192xi32> to vector<128x192xi32>
    %eq3A_219 = arith.cmpi eq, %eq3A_217, %eq3A_218 : vector<128x192xi32>
    %sub3A_220 = arith.constant 1.000000e+05 : f32
    %sub3A_221 = vector.broadcast %sub3A_220 : f32 to vector<128x192xf32>
    %sub3A_222 = arith.subf %mul3A_214, %sub3A_221 : vector<128x192xf32>
    %select_n3A_223 = arith.select %eq3A_219, %sub3A_222, %mul3A_214 : vector<128x192xi1>, vector<128x192xf32>
    %add3A_224 = arith.addf %select_n3A_223, %get3A_29 : vector<128x192xf32>
    %reduce_max3A_225 = arith.constant dense<0xFF800000> : vector<128xf32>
    %reduce_max3A_226 = vector.multi_reduction <maximumf>, %add3A_224, %reduce_max3A_225 [1] : vector<128x192xf32> to vector<128xf32>
    %broadcast_in_dim3A_227 = vector.shape_cast %reduce_max3A_226 : vector<128xf32> to vector<128x1xf32>
    %sub3A_228 = vector.broadcast %broadcast_in_dim3A_227 : vector<128x1xf32> to vector<128x192xf32>
    %sub3A_229 = arith.subf %add3A_224, %sub3A_228 : vector<128x192xf32>
    %exp3A_230 = math.exp %sub3A_229 : vector<128x192xf32>
    %reduce_sum3A_231 = arith.constant dense<0.000000e+00> : vector<128xf32>
    %reduce_sum3A_232 = vector.multi_reduction <add>, %exp3A_230, %reduce_sum3A_231 [1] : vector<128x192xf32> to vector<128xf32>
    %broadcast_in_dim3A_233 = vector.shape_cast %reduce_sum3A_232 : vector<128xf32> to vector<128x1xf32>
    %dot_general3A_234 = arith.constant dense<0.000000e+00> : vector<128x64xf32>
    %dot_general3A_235 = tpu.matmul %exp3A_230, %slice3A_209, %dot_general3A_234 {dimension_numbers = #tpu.dot_dimension_numbers<[1], [0], [0], [1], [0, 0, 1, 1], [], []>, transpose_lhs_hint = false} : vector<128x192xf32>, vector<192x64xf32>, vector<128x64xf32> -> vector<128x64xf32>
    %div3A_236 = vector.broadcast %broadcast_in_dim3A_233 : vector<128x1xf32> to vector<128x64xf32>
    %div3A_237 = arith.divf %dot_general3A_235, %div3A_236 : vector<128x64xf32>
    %swap3A_238 = arith.constant 0 : index
    %swap3A_239 = arith.constant 512 : index
    %swap3A_240 = arith.constant 0 : index
    %swap3A_241 = vector.load %arg8[%swap3A_238, %swap3A_239, %swap3A_240] : memref<1x1024x128xf32, #tpu.memory_space<vmem>>, vector<1x128x64xf32>
    %swap3A_242 = vector.shape_cast %swap3A_241 : vector<1x128x64xf32> to vector<128x64xf32>
    %swap3A_243 = vector.shape_cast %div3A_237 : vector<128x64xf32> to vector<1x128x64xf32>
    tpu.vector_store %arg8[%swap3A_238, %swap3A_239, %swap3A_240], %swap3A_243 {strides = array<i32>} : memref<1x1024x128xf32, #tpu.memory_space<vmem>>, vector<1x128x64xf32>,
    %log3A_244 = math.log %broadcast_in_dim3A_233 : vector<128x1xf32>
    %add3A_245 = arith.addf %broadcast_in_dim3A_227, %log3A_244 : vector<128x1xf32>
    %swap3A_246 = arith.constant 0 : index
    %swap3A_247 = arith.constant 512 : index
    %swap3A_248 = arith.constant 64 : index
    %swap3A_249 = vector.load %arg8[%swap3A_246, %swap3A_247, %swap3A_248] : memref<1x1024x128xf32, #tpu.memory_space<vmem>>, vector<1x128x1xf32>
    %swap3A_250 = vector.shape_cast %swap3A_249 : vector<1x128x1xf32> to vector<128x1xf32>
    %swap3A_251 = vector.shape_cast %add3A_245 : vector<128x1xf32> to vector<1x128x1xf32>
    tpu.vector_store %arg8[%swap3A_246, %swap3A_247, %swap3A_248], %swap3A_251 {strides = array<i32>} : memref<1x1024x128xf32, #tpu.memory_space<vmem>>, vector<1x128x1xf32>,
    %slice3A_252 = vector.extract_strided_slice %get3A_3 {offsets = [640, 0], sizes = [128, 64], strides = [1, 1]} : vector<1024x128xf32> to vector<128x64xf32>
    %slice3A_253 = vector.extract_strided_slice %div3A_33 {offsets = [640, 0], sizes = [192, 64], strides = [1, 1]} : vector<1088x64xf32> to vector<192x64xf32>
    %slice3A_254 = vector.extract_strided_slice %concatenate3A {offsets = [640, 64], sizes = [192, 64], strides = [1, 1]} : vector<1088x128xf32> to vector<192x64xf32>
    %dot_general3A_255 = arith.constant dense<0.000000e+00> : vector<128x192xf32>
    %dot_general3A_256 = tpu.matmul %slice3A_252, %slice3A_253, %dot_general3A_255 {dimension_numbers = #tpu.dot_dimension_numbers<[1], [1], [0], [0], [0, 0, 1, 0], [], []>, transpose_lhs_hint = false} : vector<128x64xf32>, vector<192x64xf32>, vector<128x192xf32> -> vector<128x192xf32>
    %mul3A_257 = arith.constant 1.250000e-01 : f32
    %mul3A_258 = vector.broadcast %mul3A_257 : f32 to vector<128x192xf32>
    %mul3A_259 = arith.mulf %dot_general3A_256, %mul3A_258 : vector<128x192xf32>
    %slice3A_260 = vector.extract_strided_slice %get3A_26 {offsets = [640, 0], sizes = [128, 1], strides = [1, 1]} : vector<1024x1xi32> to vector<128x1xi32>
    %slice3A_261 = vector.extract_strided_slice %concatenate3A_35 {offsets = [0, 640], sizes = [1, 192], strides = [1, 1]} : vector<1x1088xi32> to vector<1x192xi32>
    %eq3A_262 = vector.broadcast %slice3A_260 : vector<128x1xi32> to vector<128x192xi32>
    %eq3A_263 = vector.broadcast %slice3A_261 : vector<1x192xi32> to vector<128x192xi32>
    %eq3A_264 = arith.cmpi eq, %eq3A_262, %eq3A_263 : vector<128x192xi32>
    %sub3A_265 = arith.constant 1.000000e+05 : f32
    %sub3A_266 = vector.broadcast %sub3A_265 : f32 to vector<128x192xf32>
    %sub3A_267 = arith.subf %mul3A_259, %sub3A_266 : vector<128x192xf32>
    %select_n3A_268 = arith.select %eq3A_264, %sub3A_267, %mul3A_259 : vector<128x192xi1>, vector<128x192xf32>
    %add3A_269 = arith.addf %select_n3A_268, %get3A_29 : vector<128x192xf32>
    %reduce_max3A_270 = arith.constant dense<0xFF800000> : vector<128xf32>
    %reduce_max3A_271 = vector.multi_reduction <maximumf>, %add3A_269, %reduce_max3A_270 [1] : vector<128x192xf32> to vector<128xf32>
    %broadcast_in_dim3A_272 = vector.shape_cast %reduce_max3A_271 : vector<128xf32> to vector<128x1xf32>
    %sub3A_273 = vector.broadcast %broadcast_in_dim3A_272 : vector<128x1xf32> to vector<128x192xf32>
    %sub3A_274 = arith.subf %add3A_269, %sub3A_273 : vector<128x192xf32>
    %exp3A_275 = math.exp %sub3A_274 : vector<128x192xf32>
    %reduce_sum3A_276 = arith.constant dense<0.000000e+00> : vector<128xf32>
    %reduce_sum3A_277 = vector.multi_reduction <add>, %exp3A_275, %reduce_sum3A_276 [1] : vector<128x192xf32> to vector<128xf32>
    %broadcast_in_dim3A_278 = vector.shape_cast %reduce_sum3A_277 : vector<128xf32> to vector<128x1xf32>
    %dot_general3A_279 = arith.constant dense<0.000000e+00> : vector<128x64xf32>
    %dot_general3A_280 = tpu.matmul %exp3A_275, %slice3A_254, %dot_general3A_279 {dimension_numbers = #tpu.dot_dimension_numbers<[1], [0], [0], [1], [0, 0, 1, 1], [], []>, transpose_lhs_hint = false} : vector<128x192xf32>, vector<192x64xf32>, vector<128x64xf32> -> vector<128x64xf32>
    %div3A_281 = vector.broadcast %broadcast_in_dim3A_278 : vector<128x1xf32> to vector<128x64xf32>
    %div3A_282 = arith.divf %dot_general3A_280, %div3A_281 : vector<128x64xf32>
    %swap3A_283 = arith.constant 0 : index
    %swap3A_284 = arith.constant 640 : index
    %swap3A_285 = arith.constant 0 : index
    %swap3A_286 = vector.load %arg8[%swap3A_283, %swap3A_284, %swap3A_285] : memref<1x1024x128xf32, #tpu.memory_space<vmem>>, vector<1x128x64xf32>
    %swap3A_287 = vector.shape_cast %swap3A_286 : vector<1x128x64xf32> to vector<128x64xf32>
    %swap3A_288 = vector.shape_cast %div3A_282 : vector<128x64xf32> to vector<1x128x64xf32>
    tpu.vector_store %arg8[%swap3A_283, %swap3A_284, %swap3A_285], %swap3A_288 {strides = array<i32>} : memref<1x1024x128xf32, #tpu.memory_space<vmem>>, vector<1x128x64xf32>,
    %log3A_289 = math.log %broadcast_in_dim3A_278 : vector<128x1xf32>
    %add3A_290 = arith.addf %broadcast_in_dim3A_272, %log3A_289 : vector<128x1xf32>
    %swap3A_291 = arith.constant 0 : index
    %swap3A_292 = arith.constant 640 : index
    %swap3A_293 = arith.constant 64 : index
    %swap3A_294 = vector.load %arg8[%swap3A_291, %swap3A_292, %swap3A_293] : memref<1x1024x128xf32, #tpu.memory_space<vmem>>, vector<1x128x1xf32>
    %swap3A_295 = vector.shape_cast %swap3A_294 : vector<1x128x1xf32> to vector<128x1xf32>
    %swap3A_296 = vector.shape_cast %add3A_290 : vector<128x1xf32> to vector<1x128x1xf32>
    tpu.vector_store %arg8[%swap3A_291, %swap3A_292, %swap3A_293], %swap3A_296 {strides = array<i32>} : memref<1x1024x128xf32, #tpu.memory_space<vmem>>, vector<1x128x1xf32>,
    %slice3A_297 = vector.extract_strided_slice %get3A_3 {offsets = [768, 0], sizes = [128, 64], strides = [1, 1]} : vector<1024x128xf32> to vector<128x64xf32>
    %slice3A_298 = vector.extract_strided_slice %div3A_33 {offsets = [768, 0], sizes = [192, 64], strides = [1, 1]} : vector<1088x64xf32> to vector<192x64xf32>
    %slice3A_299 = vector.extract_strided_slice %concatenate3A {offsets = [768, 64], sizes = [192, 64], strides = [1, 1]} : vector<1088x128xf32> to vector<192x64xf32>
    %dot_general3A_300 = arith.constant dense<0.000000e+00> : vector<128x192xf32>
    %dot_general3A_301 = tpu.matmul %slice3A_297, %slice3A_298, %dot_general3A_300 {dimension_numbers = #tpu.dot_dimension_numbers<[1], [1], [0], [0], [0, 0, 1, 0], [], []>, transpose_lhs_hint = false} : vector<128x64xf32>, vector<192x64xf32>, vector<128x192xf32> -> vector<128x192xf32>
    %mul3A_302 = arith.constant 1.250000e-01 : f32
    %mul3A_303 = vector.broadcast %mul3A_302 : f32 to vector<128x192xf32>
    %mul3A_304 = arith.mulf %dot_general3A_301, %mul3A_303 : vector<128x192xf32>
    %slice3A_305 = vector.extract_strided_slice %get3A_26 {offsets = [768, 0], sizes = [128, 1], strides = [1, 1]} : vector<1024x1xi32> to vector<128x1xi32>
    %slice3A_306 = vector.extract_strided_slice %concatenate3A_35 {offsets = [0, 768], sizes = [1, 192], strides = [1, 1]} : vector<1x1088xi32> to vector<1x192xi32>
    %eq3A_307 = vector.broadcast %slice3A_305 : vector<128x1xi32> to vector<128x192xi32>
    %eq3A_308 = vector.broadcast %slice3A_306 : vector<1x192xi32> to vector<128x192xi32>
    %eq3A_309 = arith.cmpi eq, %eq3A_307, %eq3A_308 : vector<128x192xi32>
    %sub3A_310 = arith.constant 1.000000e+05 : f32
    %sub3A_311 = vector.broadcast %sub3A_310 : f32 to vector<128x192xf32>
    %sub3A_312 = arith.subf %mul3A_304, %sub3A_311 : vector<128x192xf32>
    %select_n3A_313 = arith.select %eq3A_309, %sub3A_312, %mul3A_304 : vector<128x192xi1>, vector<128x192xf32>
    %add3A_314 = arith.addf %select_n3A_313, %get3A_29 : vector<128x192xf32>
    %reduce_max3A_315 = arith.constant dense<0xFF800000> : vector<128xf32>
    %reduce_max3A_316 = vector.multi_reduction <maximumf>, %add3A_314, %reduce_max3A_315 [1] : vector<128x192xf32> to vector<128xf32>
    %broadcast_in_dim3A_317 = vector.shape_cast %reduce_max3A_316 : vector<128xf32> to vector<128x1xf32>
    %sub3A_318 = vector.broadcast %broadcast_in_dim3A_317 : vector<128x1xf32> to vector<128x192xf32>
    %sub3A_319 = arith.subf %add3A_314, %sub3A_318 : vector<128x192xf32>
    %exp3A_320 = math.exp %sub3A_319 : vector<128x192xf32>
    %reduce_sum3A_321 = arith.constant dense<0.000000e+00> : vector<128xf32>
    %reduce_sum3A_322 = vector.multi_reduction <add>, %exp3A_320, %reduce_sum3A_321 [1] : vector<128x192xf32> to vector<128xf32>
    %broadcast_in_dim3A_323 = vector.shape_cast %reduce_sum3A_322 : vector<128xf32> to vector<128x1xf32>
    %dot_general3A_324 = arith.constant dense<0.000000e+00> : vector<128x64xf32>
    %dot_general3A_325 = tpu.matmul %exp3A_320, %slice3A_299, %dot_general3A_324 {dimension_numbers = #tpu.dot_dimension_numbers<[1], [0], [0], [1], [0, 0, 1, 1], [], []>, transpose_lhs_hint = false} : vector<128x192xf32>, vector<192x64xf32>, vector<128x64xf32> -> vector<128x64xf32>
    %div3A_326 = vector.broadcast %broadcast_in_dim3A_323 : vector<128x1xf32> to vector<128x64xf32>
    %div3A_327 = arith.divf %dot_general3A_325, %div3A_326 : vector<128x64xf32>
    %swap3A_328 = arith.constant 0 : index
    %swap3A_329 = arith.constant 768 : index
    %swap3A_330 = arith.constant 0 : index
    %swap3A_331 = vector.load %arg8[%swap3A_328, %swap3A_329, %swap3A_330] : memref<1x1024x128xf32, #tpu.memory_space<vmem>>, vector<1x128x64xf32>
    %swap3A_332 = vector.shape_cast %swap3A_331 : vector<1x128x64xf32> to vector<128x64xf32>
    %swap3A_333 = vector.shape_cast %div3A_327 : vector<128x64xf32> to vector<1x128x64xf32>
    tpu.vector_store %arg8[%swap3A_328, %swap3A_329, %swap3A_330], %swap3A_333 {strides = array<i32>} : memref<1x1024x128xf32, #tpu.memory_space<vmem>>, vector<1x128x64xf32>,
    %log3A_334 = math.log %broadcast_in_dim3A_323 : vector<128x1xf32>
    %add3A_335 = arith.addf %broadcast_in_dim3A_317, %log3A_334 : vector<128x1xf32>
    %swap3A_336 = arith.constant 0 : index
    %swap3A_337 = arith.constant 768 : index
    %swap3A_338 = arith.constant 64 : index
    %swap3A_339 = vector.load %arg8[%swap3A_336, %swap3A_337, %swap3A_338] : memref<1x1024x128xf32, #tpu.memory_space<vmem>>, vector<1x128x1xf32>
    %swap3A_340 = vector.shape_cast %swap3A_339 : vector<1x128x1xf32> to vector<128x1xf32>
    %swap3A_341 = vector.shape_cast %add3A_335 : vector<128x1xf32> to vector<1x128x1xf32>
    tpu.vector_store %arg8[%swap3A_336, %swap3A_337, %swap3A_338], %swap3A_341 {strides = array<i32>} : memref<1x1024x128xf32, #tpu.memory_space<vmem>>, vector<1x128x1xf32>,
    %slice3A_342 = vector.extract_strided_slice %get3A_3 {offsets = [896, 0], sizes = [128, 64], strides = [1, 1]} : vector<1024x128xf32> to vector<128x64xf32>
    %slice3A_343 = vector.extract_strided_slice %div3A_33 {offsets = [896, 0], sizes = [192, 64], strides = [1, 1]} : vector<1088x64xf32> to vector<192x64xf32>
    %slice3A_344 = vector.extract_strided_slice %concatenate3A {offsets = [896, 64], sizes = [192, 64], strides = [1, 1]} : vector<1088x128xf32> to vector<192x64xf32>
    %dot_general3A_345 = arith.constant dense<0.000000e+00> : vector<128x192xf32>
    %dot_general3A_346 = tpu.matmul %slice3A_342, %slice3A_343, %dot_general3A_345 {dimension_numbers = #tpu.dot_dimension_numbers<[1], [1], [0], [0], [0, 0, 1, 0], [], []>, transpose_lhs_hint = false} : vector<128x64xf32>, vector<192x64xf32>, vector<128x192xf32> -> vector<128x192xf32>
    %mul3A_347 = arith.constant 1.250000e-01 : f32
    %mul3A_348 = vector.broadcast %mul3A_347 : f32 to vector<128x192xf32>
    %mul3A_349 = arith.mulf %dot_general3A_346, %mul3A_348 : vector<128x192xf32>
    %slice3A_350 = vector.extract_strided_slice %get3A_26 {offsets = [896, 0], sizes = [128, 1], strides = [1, 1]} : vector<1024x1xi32> to vector<128x1xi32>
    %slice3A_351 = vector.extract_strided_slice %concatenate3A_35 {offsets = [0, 896], sizes = [1, 192], strides = [1, 1]} : vector<1x1088xi32> to vector<1x192xi32>
    %eq3A_352 = vector.broadcast %slice3A_350 : vector<128x1xi32> to vector<128x192xi32>
    %eq3A_353 = vector.broadcast %slice3A_351 : vector<1x192xi32> to vector<128x192xi32>
    %eq3A_354 = arith.cmpi eq, %eq3A_352, %eq3A_353 : vector<128x192xi32>
    %sub3A_355 = arith.constant 1.000000e+05 : f32
    %sub3A_356 = vector.broadcast %sub3A_355 : f32 to vector<128x192xf32>
    %sub3A_357 = arith.subf %mul3A_349, %sub3A_356 : vector<128x192xf32>
    %select_n3A_358 = arith.select %eq3A_354, %sub3A_357, %mul3A_349 : vector<128x192xi1>, vector<128x192xf32>
    %add3A_359 = arith.addf %select_n3A_358, %get3A_29 : vector<128x192xf32>
    %reduce_max3A_360 = arith.constant dense<0xFF800000> : vector<128xf32>
    %reduce_max3A_361 = vector.multi_reduction <maximumf>, %add3A_359, %reduce_max3A_360 [1] : vector<128x192xf32> to vector<128xf32>
    %broadcast_in_dim3A_362 = vector.shape_cast %reduce_max3A_361 : vector<128xf32> to vector<128x1xf32>
    %sub3A_363 = vector.broadcast %broadcast_in_dim3A_362 : vector<128x1xf32> to vector<128x192xf32>
    %sub3A_364 = arith.subf %add3A_359, %sub3A_363 : vector<128x192xf32>
    %exp3A_365 = math.exp %sub3A_364 : vector<128x192xf32>
    %reduce_sum3A_366 = arith.constant dense<0.000000e+00> : vector<128xf32>
    %reduce_sum3A_367 = vector.multi_reduction <add>, %exp3A_365, %reduce_sum3A_366 [1] : vector<128x192xf32> to vector<128xf32>
    %broadcast_in_dim3A_368 = vector.shape_cast %reduce_sum3A_367 : vector<128xf32> to vector<128x1xf32>
    %dot_general3A_369 = arith.constant dense<0.000000e+00> : vector<128x64xf32>
    %dot_general3A_370 = tpu.matmul %exp3A_365, %slice3A_344, %dot_general3A_369 {dimension_numbers = #tpu.dot_dimension_numbers<[1], [0], [0], [1], [0, 0, 1, 1], [], []>, transpose_lhs_hint = false} : vector<128x192xf32>, vector<192x64xf32>, vector<128x64xf32> -> vector<128x64xf32>
    %div3A_371 = vector.broadcast %broadcast_in_dim3A_368 : vector<128x1xf32> to vector<128x64xf32>
    %div3A_372 = arith.divf %dot_general3A_370, %div3A_371 : vector<128x64xf32>
    %swap3A_373 = arith.constant 0 : index
    %swap3A_374 = arith.constant 896 : index
    %swap3A_375 = arith.constant 0 : index
    %swap3A_376 = vector.load %arg8[%swap3A_373, %swap3A_374, %swap3A_375] : memref<1x1024x128xf32, #tpu.memory_space<vmem>>, vector<1x128x64xf32>
    %swap3A_377 = vector.shape_cast %swap3A_376 : vector<1x128x64xf32> to vector<128x64xf32>
    %swap3A_378 = vector.shape_cast %div3A_372 : vector<128x64xf32> to vector<1x128x64xf32>
    tpu.vector_store %arg8[%swap3A_373, %swap3A_374, %swap3A_375], %swap3A_378 {strides = array<i32>} : memref<1x1024x128xf32, #tpu.memory_space<vmem>>, vector<1x128x64xf32>,
    %log3A_379 = math.log %broadcast_in_dim3A_368 : vector<128x1xf32>
    %add3A_380 = arith.addf %broadcast_in_dim3A_362, %log3A_379 : vector<128x1xf32>
    %swap3A_381 = arith.constant 0 : index
    %swap3A_382 = arith.constant 896 : index
    %swap3A_383 = arith.constant 64 : index
    %swap3A_384 = vector.load %arg8[%swap3A_381, %swap3A_382, %swap3A_383] : memref<1x1024x128xf32, #tpu.memory_space<vmem>>, vector<1x128x1xf32>
    %swap3A_385 = vector.shape_cast %swap3A_384 : vector<1x128x1xf32> to vector<128x1xf32>
    %swap3A_386 = vector.shape_cast %add3A_380 : vector<128x1xf32> to vector<1x128x1xf32>
    tpu.vector_store %arg8[%swap3A_381, %swap3A_382, %swap3A_383], %swap3A_386 {strides = array<i32>} : memref<1x1024x128xf32, #tpu.memory_space<vmem>>, vector<1x128x1xf32>,
    return
  }
  func.func @transform_0(%arg0: i32, %arg1: i32) -> (i32, i32, i32) {
    %c0_i32 = arith.constant 0 : i32
    %c0_i32_0 = arith.constant 0 : i32
    return %arg0, %arg1, %c0_i32 : i32, i32, i32
  }
  func.func @transform_1(%arg0: i32, %arg1: i32) -> (i32, i32, i32) {
    %mul3A = arith.constant 16 : i32
    %mul3A_0 = arith.muli %mul3A, %arg1 : i32
    %sub3A = arith.constant 1 : i32
    %sub3A_1 = arith.subi %mul3A_0, %sub3A : i32
    %jit3A = arith.constant 512 : i32
    %eq3A = arith.constant 0 : i32
    %eq3A_2 = arith.cmpi eq, %jit3A, %eq3A : i32
    %jit3A_3 = arith.constant 1 : i32
    %select_n3A = arith.select %eq3A_2, %jit3A_3, %jit3A : i32
    %rem3A = arith.remsi %sub3A_1, %select_n3A : i32
    %ne3A = arith.constant 0 : i32
    %ne3A_4 = arith.cmpi ne, %rem3A, %ne3A : i32
    %lt3A = arith.constant 0 : i32
    %lt3A_5 = arith.cmpi slt, %rem3A, %lt3A : i32
    %lt3A_6 = arith.constant 0 : i32
    %lt3A_7 = arith.cmpi slt, %select_n3A, %lt3A_6 : i32
    %ne3A_8 = arith.xori %lt3A_5, %lt3A_7 : i1
    %and3A = arith.andi %ne3A_8, %ne3A_4 : i1
    %add3A = arith.addi %rem3A, %select_n3A : i32
    %select_n3A_9 = arith.select %and3A, %add3A, %rem3A : i32
    %c0_i32 = arith.constant 0 : i32
    %c0_i32_10 = arith.constant 0 : i32
    return %arg0, %select_n3A_9, %c0_i32 : i32, i32, i32
  }
  func.func @transform_2(%arg0: i32, %arg1: i32) -> (i32, i32, i32, i32) {
    %c0_i32 = arith.constant 0 : i32
    %c0_i32_0 = arith.constant 0 : i32
    %c0_i32_1 = arith.constant 0 : i32
    return %arg0, %arg1, %c0_i32, %c0_i32_0 : i32, i32, i32, i32
  }
  func.func @transform_3(%arg0: i32, %arg1: i32) -> (i32, i32, i32, i32) {
    %sub3A = arith.constant 1 : i32
    %sub3A_0 = arith.subi %arg1, %sub3A : i32
    %jit3A = arith.constant 32 : i32
    %eq3A = arith.constant 0 : i32
    %eq3A_1 = arith.cmpi eq, %jit3A, %eq3A : i32
    %jit3A_2 = arith.constant 1 : i32
    %select_n3A = arith.select %eq3A_1, %jit3A_2, %jit3A : i32
    %rem3A = arith.remsi %sub3A_0, %select_n3A : i32
    %ne3A = arith.constant 0 : i32
    %ne3A_3 = arith.cmpi ne, %rem3A, %ne3A : i32
    %lt3A = arith.constant 0 : i32
    %lt3A_4 = arith.cmpi slt, %rem3A, %lt3A : i32
    %lt3A_5 = arith.constant 0 : i32
    %lt3A_6 = arith.cmpi slt, %select_n3A, %lt3A_5 : i32
    %ne3A_7 = arith.xori %lt3A_4, %lt3A_6 : i1
    %and3A = arith.andi %ne3A_7, %ne3A_3 : i1
    %add3A = arith.addi %rem3A, %select_n3A : i32
    %select_n3A_8 = arith.select %and3A, %add3A, %rem3A : i32
    %c0_i32 = arith.constant 0 : i32
    %c0_i32_9 = arith.constant 0 : i32
    %c0_i32_10 = arith.constant 0 : i32
    return %arg0, %select_n3A_8, %c0_i32, %c0_i32_9 : i32, i32, i32, i32
  }
  func.func @transform_4(%arg0: i32, %arg1: i32) -> (i32, i32, i32, i32) {
    %c0_i32 = arith.constant 0 : i32
    %c0_i32_0 = arith.constant 0 : i32
    %c0_i32_1 = arith.constant 0 : i32
    return %arg0, %arg1, %c0_i32, %c0_i32_0 : i32, i32, i32, i32
  }
  func.func @transform_5(%arg0: i32, %arg1: i32) -> (i32, i32) {
    %c0_i32 = arith.constant 0 : i32
    %c0_i32_0 = arith.constant 0 : i32
    %c0_i32_1 = arith.constant 0 : i32
    return %c0_i32, %c0_i32_0 : i32, i32
  }
  func.func @transform_6(%arg0: i32, %arg1: i32) -> (i32, i32, i32) {
    %c0_i32 = arith.constant 0 : i32
    %c0_i32_0 = arith.constant 0 : i32
    return %arg0, %arg1, %c0_i32 : i32, i32, i32
  }
}

module attributes {stable_mosaic.version = 14 : i64} {
  func.func @_combine_body(%arg0: i32, %arg1: i32, %arg2: memref<1x4x512x128xf32, #tpu.memory_space<vmem>>, %arg3: memref<64x768xf32, #tpu.memory_space<vmem>>, %arg4: memref<1x768xf32, #tpu.memory_space<vmem>>, %arg5: memref<512x768xf32, #tpu.memory_space<vmem>>) attributes {dimension_semantics = [#tpu.dimension_semantics<arbitrary>, #tpu.dimension_semantics<arbitrary>], iteration_bounds = array<i64: 16, 12>, scalar_prefetch = 0 : i64, scratch_operands = 0 : i64, tpu.core_type = #tpu.core_type<tc>, window_params = [{transform_indices = @transform_0, window_bounds = array<i64: 1, 4, 512, 128>}, {transform_indices = @transform_1, window_bounds = array<i64: 64, 768>}, {pipeline_mode = #tpu.pipeline_mode<synchronous>, transform_indices = @transform_2, window_bounds = array<i64: 1, 768>}, {transform_indices = @transform_3, window_bounds = array<i64: 512, 768>}]} {
    %get3A = arith.constant 0 : index
    %get3A_0 = arith.constant 0 : index
    %get3A_1 = arith.constant 0 : index
    %get3A_2 = arith.constant 0 : index
    %get3A_3 = vector.load %arg2[%get3A, %get3A_0, %get3A_1, %get3A_2] : memref<1x4x512x128xf32, #tpu.memory_space<vmem>>, vector<1x4x512x128xf32>
    %get3A_4 = vector.shape_cast %get3A_3 : vector<1x4x512x128xf32> to vector<4x512x128xf32>
    %slice3A = vector.extract_strided_slice %get3A_4 {offsets = [0, 0, 64], sizes = [1, 512, 1], strides = [1, 1, 1]} : vector<4x512x128xf32> to vector<1x512x1xf32>
    %squeeze3A = vector.shape_cast %slice3A : vector<1x512x1xf32> to vector<512x1xf32>
    %slice3A_5 = vector.extract_strided_slice %get3A_4 {offsets = [1, 0, 64], sizes = [1, 512, 1], strides = [1, 1, 1]} : vector<4x512x128xf32> to vector<1x512x1xf32>
    %squeeze3A_6 = vector.shape_cast %slice3A_5 : vector<1x512x1xf32> to vector<512x1xf32>
    %slice3A_7 = vector.extract_strided_slice %get3A_4 {offsets = [2, 0, 64], sizes = [1, 512, 1], strides = [1, 1, 1]} : vector<4x512x128xf32> to vector<1x512x1xf32>
    %squeeze3A_8 = vector.shape_cast %slice3A_7 : vector<1x512x1xf32> to vector<512x1xf32>
    %slice3A_9 = vector.extract_strided_slice %get3A_4 {offsets = [3, 0, 64], sizes = [1, 512, 1], strides = [1, 1, 1]} : vector<4x512x128xf32> to vector<1x512x1xf32>
    %squeeze3A_10 = vector.shape_cast %slice3A_9 : vector<1x512x1xf32> to vector<512x1xf32>
    %max3A = arith.maximumf %squeeze3A, %squeeze3A_6 : vector<512x1xf32>
    %max3A_11 = arith.maximumf %squeeze3A_8, %squeeze3A_10 : vector<512x1xf32>
    %max3A_12 = arith.maximumf %max3A, %max3A_11 : vector<512x1xf32>
    %sub3A = arith.subf %squeeze3A, %max3A_12 : vector<512x1xf32>
    %exp3A = math.exp %sub3A : vector<512x1xf32>
    %sub3A_13 = arith.subf %squeeze3A_6, %max3A_12 : vector<512x1xf32>
    %exp3A_14 = math.exp %sub3A_13 : vector<512x1xf32>
    %sub3A_15 = arith.subf %squeeze3A_8, %max3A_12 : vector<512x1xf32>
    %exp3A_16 = math.exp %sub3A_15 : vector<512x1xf32>
    %sub3A_17 = arith.subf %squeeze3A_10, %max3A_12 : vector<512x1xf32>
    %exp3A_18 = math.exp %sub3A_17 : vector<512x1xf32>
    %add3A = arith.addf %exp3A, %exp3A_14 : vector<512x1xf32>
    %add3A_19 = arith.addf %add3A, %exp3A_16 : vector<512x1xf32>
    %add3A_20 = arith.addf %add3A_19, %exp3A_18 : vector<512x1xf32>
    %slice3A_21 = vector.extract_strided_slice %get3A_4 {offsets = [0, 0, 0], sizes = [1, 512, 64], strides = [1, 1, 1]} : vector<4x512x128xf32> to vector<1x512x64xf32>
    %squeeze3A_22 = vector.shape_cast %slice3A_21 : vector<1x512x64xf32> to vector<512x64xf32>
    %div3A = arith.divf %exp3A, %add3A_20 : vector<512x1xf32>
    %mul3A = vector.broadcast %div3A : vector<512x1xf32> to vector<512x64xf32>
    %mul3A_23 = arith.mulf %squeeze3A_22, %mul3A : vector<512x64xf32>
    %add3A_24 = arith.constant 0.000000e+00 : f32
    %add3A_25 = vector.broadcast %add3A_24 : f32 to vector<512x64xf32>
    %add3A_26 = arith.addf %add3A_25, %mul3A_23 : vector<512x64xf32>
    %slice3A_27 = vector.extract_strided_slice %get3A_4 {offsets = [1, 0, 0], sizes = [1, 512, 64], strides = [1, 1, 1]} : vector<4x512x128xf32> to vector<1x512x64xf32>
    %squeeze3A_28 = vector.shape_cast %slice3A_27 : vector<1x512x64xf32> to vector<512x64xf32>
    %div3A_29 = arith.divf %exp3A_14, %add3A_20 : vector<512x1xf32>
    %mul3A_30 = vector.broadcast %div3A_29 : vector<512x1xf32> to vector<512x64xf32>
    %mul3A_31 = arith.mulf %squeeze3A_28, %mul3A_30 : vector<512x64xf32>
    %add3A_32 = arith.addf %add3A_26, %mul3A_31 : vector<512x64xf32>
    %slice3A_33 = vector.extract_strided_slice %get3A_4 {offsets = [2, 0, 0], sizes = [1, 512, 64], strides = [1, 1, 1]} : vector<4x512x128xf32> to vector<1x512x64xf32>
    %squeeze3A_34 = vector.shape_cast %slice3A_33 : vector<1x512x64xf32> to vector<512x64xf32>
    %div3A_35 = arith.divf %exp3A_16, %add3A_20 : vector<512x1xf32>
    %mul3A_36 = vector.broadcast %div3A_35 : vector<512x1xf32> to vector<512x64xf32>
    %mul3A_37 = arith.mulf %squeeze3A_34, %mul3A_36 : vector<512x64xf32>
    %add3A_38 = arith.addf %add3A_32, %mul3A_37 : vector<512x64xf32>
    %slice3A_39 = vector.extract_strided_slice %get3A_4 {offsets = [3, 0, 0], sizes = [1, 512, 64], strides = [1, 1, 1]} : vector<4x512x128xf32> to vector<1x512x64xf32>
    %squeeze3A_40 = vector.shape_cast %slice3A_39 : vector<1x512x64xf32> to vector<512x64xf32>
    %div3A_41 = arith.divf %exp3A_18, %add3A_20 : vector<512x1xf32>
    %mul3A_42 = vector.broadcast %div3A_41 : vector<512x1xf32> to vector<512x64xf32>
    %mul3A_43 = arith.mulf %squeeze3A_40, %mul3A_42 : vector<512x64xf32>
    %add3A_44 = arith.addf %add3A_38, %mul3A_43 : vector<512x64xf32>
    %get3A_45 = arith.constant 0 : index
    %get3A_46 = arith.constant 0 : index
    %get3A_47 = vector.load %arg3[%get3A_45, %get3A_46] : memref<64x768xf32, #tpu.memory_space<vmem>>, vector<64x768xf32>
    %dot_general3A = arith.constant dense<0.000000e+00> : vector<512x768xf32>
    %dot_general3A_48 = tpu.matmul %add3A_44, %get3A_47, %dot_general3A {dimension_numbers = #tpu.dot_dimension_numbers<[1], [0], [0], [1], [0, 0, 1, 1], [], []>, transpose_lhs_hint = false} : vector<512x64xf32>, vector<64x768xf32>, vector<512x768xf32> -> vector<512x768xf32>
    %eq3A = arith.constant 0 : i32
    %eq3A_49 = arith.cmpi eq, %arg1, %eq3A : i32
    %convert_element_type3A = arith.extui %eq3A_49 : i1 to i32
    %cond3A = arith.constant 0 : i32
    %cond3A_50 = arith.cmpi ne, %convert_element_type3A, %cond3A : i32
    scf.if %cond3A_50 {
      %get3A_55 = arith.constant 0 : index
      %get3A_56 = arith.constant 0 : index
      %get3A_57 = vector.load %arg4[%get3A_55, %get3A_56] : memref<1x768xf32, #tpu.memory_space<vmem>>, vector<1x768xf32>
      %add3A_58 = vector.broadcast %get3A_57 : vector<1x768xf32> to vector<512x768xf32>
      %add3A_59 = arith.addf %dot_general3A_48, %add3A_58 : vector<512x768xf32>
      %swap3A = arith.constant 0 : index
      %swap3A_60 = arith.constant 0 : index
      %swap3A_61 = vector.load %arg5[%swap3A, %swap3A_60] : memref<512x768xf32, #tpu.memory_space<vmem>>, vector<512x768xf32>
      tpu.vector_store %arg5[%swap3A, %swap3A_60], %add3A_59 {strides = array<i32>} : memref<512x768xf32, #tpu.memory_space<vmem>>, vector<512x768xf32>,
    } else {
    }
    %ne3A = arith.constant 0 : i32
    %ne3A_51 = arith.cmpi ne, %arg1, %ne3A : i32
    %convert_element_type3A_52 = arith.extui %ne3A_51 : i1 to i32
    %cond3A_53 = arith.constant 0 : i32
    %cond3A_54 = arith.cmpi ne, %convert_element_type3A_52, %cond3A_53 : i32
    scf.if %cond3A_54 {
      %get3A_55 = arith.constant 0 : index
      %get3A_56 = arith.constant 0 : index
      %get3A_57 = vector.load %arg5[%get3A_55, %get3A_56] : memref<512x768xf32, #tpu.memory_space<vmem>>, vector<512x768xf32>
      %add3A_58 = arith.addf %get3A_57, %dot_general3A_48 : vector<512x768xf32>
      %swap3A = arith.constant 0 : index
      %swap3A_59 = arith.constant 0 : index
      %swap3A_60 = vector.load %arg5[%swap3A, %swap3A_59] : memref<512x768xf32, #tpu.memory_space<vmem>>, vector<512x768xf32>
      tpu.vector_store %arg5[%swap3A, %swap3A_59], %add3A_58 {strides = array<i32>} : memref<512x768xf32, #tpu.memory_space<vmem>>, vector<512x768xf32>,
    } else {
    }
    return
  }
  func.func @transform_0(%arg0: i32, %arg1: i32) -> (i32, i32, i32, i32) {
    %c0_i32 = arith.constant 0 : i32
    %c0_i32_0 = arith.constant 0 : i32
    %c0_i32_1 = arith.constant 0 : i32
    return %arg1, %c0_i32, %arg0, %c0_i32_0 : i32, i32, i32, i32
  }
  func.func @transform_1(%arg0: i32, %arg1: i32) -> (i32, i32) {
    %c0_i32 = arith.constant 0 : i32
    %c0_i32_0 = arith.constant 0 : i32
    return %arg1, %c0_i32 : i32, i32
  }
  func.func @transform_2(%arg0: i32, %arg1: i32) -> (i32, i32) {
    %c0_i32 = arith.constant 0 : i32
    %c0_i32_0 = arith.constant 0 : i32
    %c0_i32_1 = arith.constant 0 : i32
    return %c0_i32, %c0_i32_0 : i32, i32
  }
  func.func @transform_3(%arg0: i32, %arg1: i32) -> (i32, i32) {
    %c0_i32 = arith.constant 0 : i32
    %c0_i32_0 = arith.constant 0 : i32
    return %arg0, %c0_i32 : i32, i32
  }
}

</mosaic_0001>

<sc_bundles>
// kernel: kernel.10.cloned.1.call-start
scs
__scs_entry_jumppad:
0x0: {  	(pc) =	sbr.rel $0x88, $3  }
0x1: {  	(tag) =	ssettag $0x0;
	lr =	simm.s32 $0x1  }
0x2: {  	[smem:$0x3F9C] =	sst lr;
	_ =	strace $0xD0000000  }
0x3: {  	_ = 	snop  }
0x4: {  	_ = 	snop  }
0x5: {  	_ = 	snop  }
0x6: {  	_ = 	snop  }
0x7: {  	_ = 	snop  }
__scs_overlays_trampoline_lowered:
0x8: {  	[smem:$0x3FAB] =	sst s0  }
0x9: {  	[smem:$0x3FAC] =	sst s1  }
0xa: {  	[smem:$0x3FAD] =	sst s2  }
0xb: {  	[smem:$0x3FAE] =	sst s3  }
0xc: {  	[smem:$0x3FAF] =	sst s4  }
0xd: {  	[smem:$0x3FB0] =	sst s5  }
0xe: {  	[smem:$0x3FB1] =	sst s6  }
0xf: {  	[smem:$0x3FB2] =	sst s7  }
0x10: {  	[smem:$0x3FB3] =	sst s8  }
0x11: {  	[smem:$0x3FB4] =	sst s9;
	s0 =	simm.s32 @!p0 $0x0  }
0x12: {  	s1 =	sld [smem:$0x3F9A];
	s0 =	simm.s32 @p0 $0x1  }
0x13: {  	[smem:$0x3FB5] =	sst s0;
	s0 =	simm.s32 @!p1 $0x0  }
0x14: {  	s2 =	sld [smem:$0x3F99];
	s0 =	simm.s32 @p1 $0x1  }
0x15: {  	[smem:$0x3FB6] =	sst s0;
	s0 =	simm.s32 @!p2 $0x0  }
0x16: {  	s3 =	sld [smem:$0x3FDB];
	s0 =	simm.s32 @p2 $0x1  }
0x17: {  	s4 =	simm.s32 $0x1BF5;
	[smem:$0x3FB8] =	sst s0  }
0x18: {  	s0 =	sld [smem:$0x3F9B];
	_ =	swait.ge [sflag:s4], $0x0  }
0x19: {  	s7 =	sld [smem:$0x3F9C]  }
0x1a: {  	s8 =	sadd.s32 $0xFFFFE003, lr  }
0x1b: {  	s9 =	sadd.s32 $0xFFFFFEF7, lr;
	s5 =	simm.s32 $0xFFFFFFFF;
	p2 =	slt.u32 s8, $0xFFFFF086  }
0x1c: {  	p1 =	slt.u32 s9, $0xF7A;
	s5 =	simm.s32 @!p2 $0x0  }
0x1d: {  	s5 =	simm.s32 @p1 $0x1;
	p0 =	seq.s32 s7, s2  }
0x1e: {  	s7 =	smul.u32 @!p0 $0xF7A, s2;
	p2 =	seq.s32 @!p0 s5, $0x0  }
0x1f: {  	s9 =	smul.u32 $0xF7A, s1;
	s8 =	simm.s32 @!p0 $0x1BF5;
	p2 =	por !p2, p0  }
0x20: {  	[sflag:s8] =	ssyncset.s32 @!p0 $0xFFFFF086;
	s6 =	sadd.s32 @!p0 s3, s7;
	s7 =	simm.s32 @!p0 $0x108  }
0x21: {  	s3 =	sadd.s32 s3, s9;
	s6 =	sadd.s32 @!p0 $0x88, s6;
	s7 =	simm.s32 @p2 $0x1082  }
0x22: {  	[simem:s7], [sflag:s8] =	dma.local @!p0 [hbm:s6], $0xF7A  }
0x23: {  	s9 =	sor.u32 $0xD0000000, s2;
	s6 =	simm.s32 $0x108;
	_ =	swait.ge @!p0 [sflag:s8], $0x0  }
0x24: {  	s3 =	sadd.s32 $0x88, s3;
	s6 =	simm.s32 @!p1 $0x1082;
	[sflag:s4] =	ssyncset.s32 $0xFFFFF086  }
0x25: {  	[simem:s6], [sflag:s4] =	dma.local [hbm:s3], $0xF7A  }
0x26: {  	[smem:$0x3F9C] =	sst s1;
	(tag) =	ssettag s2;
	_ =	strace s9  }
0x27: {  	s1 =	sld [smem:$0x3FAC]  }
0x28: {  	s2 =	sld [smem:$0x3FAD]  }
0x29: {  	s4 =	sld [smem:$0x3FAF]  }
0x2a: {  	p0 =	seq.s32 s5, $0x0;
	s5 =	sld [smem:$0x3FB0]  }
0x2b: {  	s6 =	sld [smem:$0x3FB1]  }
0x2c: {  	s7 =	sld [smem:$0x3FB2]  }
0x2d: {  	s3 =	simm.s32 $0x108;
	s8 =	sld [smem:$0x3FB3]  }
0x2e: {  	s3 =	simm.s32 @!p0 $0x1082;
	s9 =	sld [smem:$0x3FB4]  }
0x2f: {  	lr =	sadd.s32 s0, s3;
	s0 =	sld [smem:$0x3FAB]  }
0x30: {  	s3 =	sld [smem:$0x3FAE]  }
0x31: {  	[smem:$0x3FB7] =	sst s10  }
0x32: {  	s10 =	sld [smem:$0x3FB5];
	_ =	sdelay $0x3  }
0x33: {  	p0 =	seq.s32 s10, $0x1;
	s10 =	sld [smem:$0x3FB7];
	_ =	sdelay $0x3  }
0x34: {  	[smem:$0x3FB7] =	sst s10  }
0x35: {  	s10 =	sld [smem:$0x3FB6];
	_ =	sdelay $0x3  }
0x36: {  	p1 =	seq.s32 s10, $0x1;
	s10 =	sld [smem:$0x3FB7];
	_ =	sdelay $0x3  }
0x37: {  	[smem:$0x3FB7] =	sst s10  }
0x38: {  	s10 =	sld [smem:$0x3FB8]  }
0x39: {  	_ = 	snop;
	(pc) =	sbr.ind lr, $3  }
0x3a: {  	_ = 	snop  }
0x3b: {  	_ = 	snop  }
0x3c: {  	p2 =	seq.s32 s10, $0x1;
	s10 =	sld [smem:$0x3FB7]  }
0x3d: {  	_ =	shalt  }
0x3e: {  	_ =	shalt  }
0x3f: {  	_ =	shalt  }
0x40: {  	_ =	shalt  }
0x41: {  	_ =	shalt  }
0x42: {  	_ =	shalt  }
0x43: {  	_ =	shalt  }
0x44: {  	_ =	shalt  }
0x45: {  	_ =	shalt  }
0x46: {  	_ =	shalt  }
0x47: {  	_ =	shalt  }
0x48: {  	_ =	shalt  }
0x49: {  	_ =	shalt  }
0x4a: {  	_ =	shalt  }
0x4b: {  	_ =	shalt  }
0x4c: {  	_ =	shalt  }
0x4d: {  	_ =	shalt  }
0x4e: {  	_ =	shalt  }
0x4f: {  	_ =	shalt  }
0x50: {  	_ =	shalt  }
0x51: {  	_ =	shalt  }
0x52: {  	_ =	shalt  }
0x53: {  	_ =	shalt  }
0x54: {  	_ =	shalt  }
0x55: {  	_ =	shalt  }
0x56: {  	_ =	shalt  }
0x57: {  	_ =	shalt  }
0x58: {  	_ =	shalt  }
0x59: {  	_ =	shalt  }
0x5a: {  	_ =	shalt  }
0x5b: {  	_ =	shalt  }
0x5c: {  	_ =	shalt  }
0x5d: {  	_ =	shalt  }
0x5e: {  	_ =	shalt  }
0x5f: {  	_ =	shalt  }
0x60: {  	_ =	shalt  }
0x61: {  	_ =	shalt  }
0x62: {  	_ =	shalt  }
0x63: {  	_ =	shalt  }
0x64: {  	_ =	shalt  }
0x65: {  	_ =	shalt  }
0x66: {  	_ =	shalt  }
0x67: {  	_ =	shalt  }
0x68: {  	_ =	shalt  }
0x69: {  	_ =	shalt  }
0x6a: {  	_ =	shalt  }
0x6b: {  	_ =	shalt  }
0x6c: {  	_ =	shalt  }
0x6d: {  	_ =	shalt  }
0x6e: {  	_ =	shalt  }
0x6f: {  	_ =	shalt  }
0x70: {  	_ =	shalt  }
0x71: {  	_ =	shalt  }
0x72: {  	_ =	shalt  }
0x73: {  	_ =	shalt  }
0x74: {  	_ =	shalt  }
0x75: {  	_ =	shalt  }
0x76: {  	_ =	shalt  }
0x77: {  	_ =	shalt  }
0x78: {  	_ =	shalt  }
0x79: {  	_ =	shalt  }
0x7a: {  	_ =	shalt  }
0x7b: {  	_ =	shalt  }
0x7c: {  	_ =	shalt  }
0x7d: {  	_ =	shalt  }
0x7e: {  	_ =	shalt  }
0x7f: {  	_ =	shalt  }
0x80: {  	_ =	shalt  }
0x81: {  	_ =	shalt  }
0x82: {  	_ =	shalt  }
0x83: {  	_ =	shalt  }
0x84: {  	_ =	shalt  }
0x85: {  	_ =	shalt  }
0x86: {  	_ =	shalt  }
0x87: {  	_ =	shalt  }
.Lfunc_end0:
.L_simem_size_0:
called_computation.1_lowered:
.L_overlay_start_0:
0x88: {  	s2 =	sld [smem:$0x3FD9]  }
0x89: {  	s3 =	sld [smem:$0x3FFE];
	_ =	sdelay $0x1  }
0x8a: {  	s1 =	srdreg.scid  }
0x8b: {  	s0 =	sand.u32 $0x1, s1  }
0x8c: {  	s17 =	sshll.u32 s0, $0xA;
	s2 =	sadd.s32 s3, s2  }
0x8d: {  	s2 =	sadd.s32 s2, s17  }
0x8e: {  	[smem:$0x3FC3] =	sst s2  }
0x8f: {  	_ = 	snop  }
0x90: {  	s2 =	sld [smem:$0x3FD0];
	(tm) =	ssettm $0x1  }
0x91: {  	s18 =	sld [smem:$0x3FFB];
	_ =	sdelay $0x3  }
0x92: {  	_ =	strace s18  }
0x93: {  	s3 =	sld [smem:$0x3FFC];
	_ =	sdelay $0x3  }
0x94: {  	_ =	strace s3  }
0x95: {  	s3 =	sld [smem:$0x3FFD];
	_ =	sdelay $0x3  }
0x96: {  	_ =	strace s3  }
0x97: {  	_ =	strace $0x8FFFFFFF  }
0x98: {  	s19 =	sld [smem:$0x3FDB];
	_ =	sdelay $0x1  }
0x99: {  	s4 =	simm.s32 $_scs_section_size  }
0x9a: {  	s5 =	simm.s32 $_size__tile_overlayer_lowered;
	s6 =	simm.s32 $_tile_overlayer_lowered  }
0x9b: {  	s22 =	simm.s32 $0x1BFF;
	s21 =	sshll.u32 s6, $0x1;
	s3 =	sadd.s32 s4, s19  }
0x9c: {  	s7 =	simm.s32 $0x0;
	s20 =	sshll.u32 s5, $0x1;
	s5 =	sadd.s32 s21, s3  }
0x9d: {  	[timem:s7], [sflag:s22] =	dma.local [hbm:s5], s20  }
0x9e: {  	_ =	swait.ge [sflag:s22], s20  }
0x9f: {  	s4 =	ssub.s32 $0x0, s20;
	[sflag:s22] =	ssyncset.done $0x0  }
0xa0: {  	[sflag:s22] =	ssyncadd.s32 s4;
	_ =	sdelay $0x1  }
0xa1: {  	s23 =	simm.s32 $0x1B8B  }
0xa2: {  	_ =	swait.ge [sflag:s23], $0x1  }
0xa3: {  	[sflag:s23] =	ssyncset.done $0x0  }
0xa4: {  	s25 =	simm.s32 $0x1B8E;
	s24 =	sld [smem:$0x3FFE];
	[sflag:s23] =	ssyncadd.s32 $0xFFFFFFFF  }
0xa5: {  	s26 =	simm.s32 $execute0_lowered;
	[smem:$0x3FD2] =	sst s25  }
0xa6: {  	s5 =	sshll.u32 s26, $0x1;
	_ =	strace $0x80000049;
	[dreg:$0x1] =	wrdreg $0xFFFFFFFF  }
0xa7: {  	s28 =	simm.s32 $_size_execute0_lowered;
	s3 =	sadd.s32 s3, s5;
	[dreg:$0x0] =	wrdreg $0x0  }
0xa8: {  	s5 =	sshll.u32 s28, $0x1;
	[dreg:$0x2] =	wrdreg s3  }
0xa9: {  	[dreg:$0x3] =	wrdreg s5  }
0xaa: {  	[dreg:$0x4] =	wrdreg $0xC0  }
0xab: {  	_ =	task [dreg:s7], $0x5FFFF  }
0xac: {  	[dreg:$0x1] =	wrdreg $0xFFFFFFFF  }
0xad: {  	[dreg:$0x0] =	wrdreg $0x60  }
0xae: {  	[dreg:$0x2] =	wrdreg s24  }
0xaf: {  	[dreg:$0x3] =	wrdreg s2  }
0xb0: {  	[dreg:$0x4] =	wrdreg $0x9  }
0xb1: {  	_ =	task.clear_ibuf [dreg:s7], $0x5FFFF;
	_ =	strace $0x90000049  }
0xb2: {  	s29 =	simm.s32 $0x9;
	_ =	strace $0x8000004B  }
0xb3: {  	_ =	swait.ge [sflag:s29], $0x1  }
0xb4: {  	[sflag:s29] =	ssyncadd.s32 $0xFFFFFFFF  }
0xb5: {  	_ =	strace $0x9000004B  }
0xb6: {  	_ =	sfence  }
0xb7: {  	s30 =	sld [smem:$0x0];
	_ =	sdelay $0x2  }
0xb8: {  	s31 =	sshll.u32 s1, $0xD;
	s1 =	sshrl.u32 s1, $0x2  }
0xb9: {  	s3 =	sand.u32 $0x4000, s31;
	s1 =	sadd.s32 s1, s30  }
0xba: {  	s0 =	sor.u32 s3, s0;
	s1 =	sshll.u32 s1, $0x11  }
0xbb: {  	s0 =	sor.u32 s1, s0  }
0xbc: {  	s0 =	sadd.s32 $0x8F2B, s0  }
0xbd: {  	[sflag:s0] =	ssyncadd.remote.s32 $0x1  }
0xbe: {  	_ =	sfence.sel $0xFFFF  }
0xbf: {  	[dreg:$0x0] =	wrdreg $0xFFFFFFFF;
	(pc) =	sbr.abs _section_cstart, $3  }
0xc0: {  	[dreg:$0x1] =	wrdreg $0xFFFFFFFF  }
0xc1: {  	_ =	task.clear_ibuf [dreg:s7], $0x2FFFF;
	_ =	strace $0x9FFFFFFF  }
0xc2: {  	(tm) =	ssettm $0x7FFFFFFF  }
0xc3: {  	_ =	shalt  }
tec
execute0_lowered:
.L_overlay_start_1:
0x0: {  	(tag) =	ssettag $0x1  }
0x1: {  	s3 =	rddreg [dreg:$0x0]  }
0x2: {  	s6 =	rddreg [dreg:$0x1]  }
0x3: {  	s0 =	rddreg [dreg:$0x2];
	s1 =	stileid.u32  }
0x4: {  	s2 =	simm.s32 $0x0;
	s5 =	srdreg.scid;
	s4 =	smul.u32 $0x60000, s1  }
0x5: {  	[smem:$0x7FF] =	sst s2;
	s5 =	sand.u32 $0x1, s5;
	s7 =	smul.u32 $0x6000, s1  }
0x6: {  	_ =	strace $0x8000004A;
	s8 =	ssub.s32 $0x2, s5;
	s9 =	smul.u32 $0x3000, s5  }
0x7: {  	s5 =	smul.u32 $0x30000, s5;
	s10 =	sadd.s32 s4, s3;
	s31 =	sshrl.u32 s8, $0x1  }
0x8: {  	s3 =	sadd.s32 $0x1E00, s3;
	s4 =	ssub.s32 s8, s31;
	s7 =	sadd.s32 s9, s7  }
0x9: {  	s5 =	sadd.s32 s5, s10;
	s8 =	simm.s32 $0x300;
	s9 =	simm.s32 $0x1  }
0xa: {  	s10 =	simm.s32 $0x0;
	s4 =	smax.u32 s4, $0x1;
	s7 =	sshrl.u32 s7, $0x3  }
0xb: {  	s5 =	sadd.s32 $0xF01E00, s5;
	s6 =	sadd.s32 s7, s6;
	s7 =	simm.s32 $0x2  }
.LBB2_1:
0xc: {  	s11 =	sadd.s32 $0x0, s6  }
0xd: {  	[tilespmem:s2], [sflag:$0x2] =	stream.linear.gather [hbm4b:s11+s2], $0x300, $0x38;
	[tilespmem:$0x18300] =	vst v63  }
0xe: {  	_ =	swait.ge [sflag:s7], $0x300  }
0xf: {  	[sflag:s7] =	ssyncset.done $0x0  }
0x10: {  	[sflag:s7] =	ssyncadd.s32 $0xFFFFFD00  }
0x11: {  	[tilespmem:s8], [sflag:$0x2] =	stream.linear.gather [hbm4b:s5+s2], $0x18000, $0x38;
	[tilespmem:$0x18300] =	vst v63  }
0x12: {  	_ =	swait.ge [sflag:s7], $0x18000  }
0x13: {  	[sflag:s7] =	ssyncset.done $0x0  }
0x14: {  	[sflag:s7] =	ssyncadd.s32 $0xFFFE8000  }
0x15: {  	[hbm4b:s3+s8] =	stream.indirect.scatter [tilespmem:s8], [sflag:$0x1], $0x80, s2, s8, $0xb8;
	[tilespmem:$0x18300] =	vst v63  }
0x16: {  	s12 =	simm.s32 $0x60;
	_ =	swait.ge [sflag:s9], $0x18000  }
0x17: {  	s13 =	simm.s32 $0xC0;
	s11 =	sadd.s32 $0x3000, s5;
	[sflag:s9] =	ssyncset.done $0x0  }
.LBB2_2:
0x18: {  	s14 =	sadd.s32 s12, s6  }
0x19: {  	[sflag:s9] =	ssyncadd.s32 $0xFFFE8000;
	s12 =	smov.u32 s13;
	s15 =	sadd.s32 $0x60, s13  }
0x1a: {  	[tilespmem:s2], [sflag:$0x2] =	stream.linear.gather [hbm4b:s14+s2], $0x300, $0x38;
	[tilespmem:$0x18300] =	vst v63  }
0x1b: {  	p0 =	sne.s32 s13, $0x5A0;
	_ =	swait.ge [sflag:s7], $0x300  }
0x1c: {  	[sflag:s7] =	ssyncset.done $0x0  }
0x1d: {  	[sflag:s7] =	ssyncadd.s32 $0xFFFFFD00  }
0x1e: {  	[tilespmem:s8], [sflag:$0x2] =	stream.linear.gather [hbm4b:s11+s2], $0x18000, $0x38;
	[tilespmem:$0x18300] =	vst v63  }
0x1f: {  	_ =	swait.ge [sflag:s7], $0x18000  }
.Ltmp0:
0x20: {  	[sflag:s7] =	ssyncset.done $0x0;
	(pc) =	sbr.rel @p0 .LBB2_2-.Ltmp0, $4  }
0x21: {  	[sflag:s7] =	ssyncadd.s32 $0xFFFE8000  }
0x22: {  	[hbm4b:s3+s8] =	stream.indirect.scatter [tilespmem:s8], [sflag:$0x1], $0x80, s2, s8, $0xb8;
	[tilespmem:$0x18300] =	vst v63  }
0x23: {  	_ =	swait.ge [sflag:s9], $0x18000  }
0x24: {  	s13 =	smov.u32 s15;
	s11 =	sadd.s32 $0x3000, s11;
	[sflag:s9] =	ssyncset.done $0x0  }
0x25: {  	s12 =	sadd.s32 s12, s6;
	[sflag:s9] =	ssyncadd.s32 $0xFFFE8000  }
0x26: {  	[tilespmem:s2], [sflag:$0x2] =	stream.linear.gather [hbm4b:s12+s2], $0x300, $0x38;
	[tilespmem:$0x18300] =	vst v63  }
0x27: {  	_ =	swait.ge [sflag:s7], $0x300  }
0x28: {  	[sflag:s7] =	ssyncset.done $0x0  }
0x29: {  	[sflag:s7] =	ssyncadd.s32 $0xFFFFFD00  }
0x2a: {  	[tilespmem:s8], [sflag:$0x2] =	stream.linear.gather [hbm4b:s11+s2], $0x18000, $0x38;
	[tilespmem:$0x18300] =	vst v63  }
0x2b: {  	s10 =	sadd.s32 $0x1, s10;
	_ =	swait.ge [sflag:s7], $0x18000  }
0x2c: {  	p0 =	sne.s32 s10, s4;
	[sflag:s7] =	ssyncset.done $0x0  }
.Ltmp1:
0x2d: {  	[sflag:s7] =	ssyncadd.s32 $0xFFFE8000;
	(pc) =	sbr.rel @p0 .LBB2_1-.Ltmp1, $4  }
0x2e: {  	[hbm4b:s3+s8] =	stream.indirect.scatter [tilespmem:s8], [sflag:$0x1], $0x80, s2, s8, $0xb8;
	[tilespmem:$0x18300] =	vst v63  }
0x2f: {  	_ =	swait.ge [sflag:s9], $0x18000  }
0x30: {  	[sflag:s9] =	ssyncset.done $0x0  }
0x31: {  	[sflag:s9] =	ssyncadd.s32 $0xFFFE8000  }
0x32: {  	_ =	sfence.sel $0x180000  }
0x33: {  	[bflag:$0x0] =	sbarrier.arrive $0xFFFF  }
0x34: {  	p0 =	sne.s32 s1, $0x0;
	_ =	strace $0x9000004A  }
0x35: {  	s0 =	sadd.s32 @!p0 $0x100000, s0;
	[bflag:$0x2] =	sbarrier.arrive $0xFFFF  }
0x36: {  	[sflag:s0] =	ssyncadd.tile.s32 @!p0 $0x1;
	_ =	shalt  }
.Lfunc_end2:
_tile_overlayer_lowered:
.L_overlay_start_2:
0x37: {  	(tag) =	ssettag $0x2  }
0x38: {  	s0 =	rddreg [dreg:$0x0];
	s2 =	stileid.u32  }
0x39: {  	s1 =	rddreg [dreg:$0x1];
	p0 =	sne.s32 s2, $0x0  }
0x3a: {  	s3 =	rddreg [dreg:$0x2];
	[bflag:$0x3] =	sbarrier.arrive $0xFFFF;
	s2 =	simm.s32 @!p0 $0x1C02  }
0x3b: {  	[timem:s3], [sflag:s2] =	dma.local @!p0 [hbm:s0], s1  }
0x3c: {  	s0 =	simm.s32 @!p0 $0x2  }
0x3d: {  	_ =	swait.ge @!p0 [sflag:s0], s1  }
0x3e: {  	s1 =	ssub.s32 @!p0 $0x0, s1;
	[sflag:s0] =	ssyncset.done @!p0 $0x0  }
0x3f: {  	[sflag:s0] =	ssyncadd.s32 @!p0 s1  }
0x40: {  	[bflag:$0x3] =	sbarrier.arrive $0xFFFF  }
0x41: {  	_ =	shalt  }

// kernel: kernel.7.cloned.1.call-start
scs
__scs_entry_jumppad:
0x0: {  	(pc) =	sbr.rel $0x88, $3  }
0x1: {  	(tag) =	ssettag $0x0;
	lr =	simm.s32 $0x1  }
0x2: {  	[smem:$0x3F9C] =	sst lr;
	_ =	strace $0xD0000000  }
0x3: {  	_ = 	snop  }
0x4: {  	_ = 	snop  }
0x5: {  	_ = 	snop  }
0x6: {  	_ = 	snop  }
0x7: {  	_ = 	snop  }
__scs_overlays_trampoline_lowered:
0x8: {  	[smem:$0x3FAB] =	sst s0  }
0x9: {  	[smem:$0x3FAC] =	sst s1  }
0xa: {  	[smem:$0x3FAD] =	sst s2  }
0xb: {  	[smem:$0x3FAE] =	sst s3  }
0xc: {  	[smem:$0x3FAF] =	sst s4  }
0xd: {  	[smem:$0x3FB0] =	sst s5  }
0xe: {  	[smem:$0x3FB1] =	sst s6  }
0xf: {  	[smem:$0x3FB2] =	sst s7  }
0x10: {  	[smem:$0x3FB3] =	sst s8  }
0x11: {  	[smem:$0x3FB4] =	sst s9;
	s0 =	simm.s32 @!p0 $0x0  }
0x12: {  	s1 =	sld [smem:$0x3F9A];
	s0 =	simm.s32 @p0 $0x1  }
0x13: {  	[smem:$0x3FB5] =	sst s0;
	s0 =	simm.s32 @!p1 $0x0  }
0x14: {  	s2 =	sld [smem:$0x3F99];
	s0 =	simm.s32 @p1 $0x1  }
0x15: {  	[smem:$0x3FB6] =	sst s0;
	s0 =	simm.s32 @!p2 $0x0  }
0x16: {  	s3 =	sld [smem:$0x3FDB];
	s0 =	simm.s32 @p2 $0x1  }
0x17: {  	s4 =	simm.s32 $0x1BF5;
	[smem:$0x3FB8] =	sst s0  }
0x18: {  	s0 =	sld [smem:$0x3F9B];
	_ =	swait.ge [sflag:s4], $0x0  }
0x19: {  	s7 =	sld [smem:$0x3F9C]  }
0x1a: {  	s8 =	sadd.s32 $0xFFFFE003, lr  }
0x1b: {  	s9 =	sadd.s32 $0xFFFFFEF7, lr;
	s5 =	simm.s32 $0xFFFFFFFF;
	p2 =	slt.u32 s8, $0xFFFFF086  }
0x1c: {  	p1 =	slt.u32 s9, $0xF7A;
	s5 =	simm.s32 @!p2 $0x0  }
0x1d: {  	s5 =	simm.s32 @p1 $0x1;
	p0 =	seq.s32 s7, s2  }
0x1e: {  	s7 =	smul.u32 @!p0 $0xF7A, s2;
	p2 =	seq.s32 @!p0 s5, $0x0  }
0x1f: {  	s9 =	smul.u32 $0xF7A, s1;
	s8 =	simm.s32 @!p0 $0x1BF5;
	p2 =	por !p2, p0  }
0x20: {  	[sflag:s8] =	ssyncset.s32 @!p0 $0xFFFFF086;
	s6 =	sadd.s32 @!p0 s3, s7;
	s7 =	simm.s32 @!p0 $0x108  }
0x21: {  	s3 =	sadd.s32 s3, s9;
	s6 =	sadd.s32 @!p0 $0x88, s6;
	s7 =	simm.s32 @p2 $0x1082  }
0x22: {  	[simem:s7], [sflag:s8] =	dma.local @!p0 [hbm:s6], $0xF7A  }
0x23: {  	s9 =	sor.u32 $0xD0000000, s2;
	s6 =	simm.s32 $0x108;
	_ =	swait.ge @!p0 [sflag:s8], $0x0  }
0x24: {  	s3 =	sadd.s32 $0x88, s3;
	s6 =	simm.s32 @!p1 $0x1082;
	[sflag:s4] =	ssyncset.s32 $0xFFFFF086  }
0x25: {  	[simem:s6], [sflag:s4] =	dma.local [hbm:s3], $0xF7A  }
0x26: {  	[smem:$0x3F9C] =	sst s1;
	(tag) =	ssettag s2;
	_ =	strace s9  }
0x27: {  	s1 =	sld [smem:$0x3FAC]  }
0x28: {  	s2 =	sld [smem:$0x3FAD]  }
0x29: {  	s4 =	sld [smem:$0x3FAF]  }
0x2a: {  	p0 =	seq.s32 s5, $0x0;
	s5 =	sld [smem:$0x3FB0]  }
0x2b: {  	s6 =	sld [smem:$0x3FB1]  }
0x2c: {  	s7 =	sld [smem:$0x3FB2]  }
0x2d: {  	s3 =	simm.s32 $0x108;
	s8 =	sld [smem:$0x3FB3]  }
0x2e: {  	s3 =	simm.s32 @!p0 $0x1082;
	s9 =	sld [smem:$0x3FB4]  }
0x2f: {  	lr =	sadd.s32 s0, s3;
	s0 =	sld [smem:$0x3FAB]  }
0x30: {  	s3 =	sld [smem:$0x3FAE]  }
0x31: {  	[smem:$0x3FB7] =	sst s10  }
0x32: {  	s10 =	sld [smem:$0x3FB5];
	_ =	sdelay $0x3  }
0x33: {  	p0 =	seq.s32 s10, $0x1;
	s10 =	sld [smem:$0x3FB7];
	_ =	sdelay $0x3  }
0x34: {  	[smem:$0x3FB7] =	sst s10  }
0x35: {  	s10 =	sld [smem:$0x3FB6];
	_ =	sdelay $0x3  }
0x36: {  	p1 =	seq.s32 s10, $0x1;
	s10 =	sld [smem:$0x3FB7];
	_ =	sdelay $0x3  }
0x37: {  	[smem:$0x3FB7] =	sst s10  }
0x38: {  	s10 =	sld [smem:$0x3FB8]  }
0x39: {  	_ = 	snop;
	(pc) =	sbr.ind lr, $3  }
0x3a: {  	_ = 	snop  }
0x3b: {  	_ = 	snop  }
0x3c: {  	p2 =	seq.s32 s10, $0x1;
	s10 =	sld [smem:$0x3FB7]  }
0x3d: {  	_ =	shalt  }
0x3e: {  	_ =	shalt  }
0x3f: {  	_ =	shalt  }
0x40: {  	_ =	shalt  }
0x41: {  	_ =	shalt  }
0x42: {  	_ =	shalt  }
0x43: {  	_ =	shalt  }
0x44: {  	_ =	shalt  }
0x45: {  	_ =	shalt  }
0x46: {  	_ =	shalt  }
0x47: {  	_ =	shalt  }
0x48: {  	_ =	shalt  }
0x49: {  	_ =	shalt  }
0x4a: {  	_ =	shalt  }
0x4b: {  	_ =	shalt  }
0x4c: {  	_ =	shalt  }
0x4d: {  	_ =	shalt  }
0x4e: {  	_ =	shalt  }
0x4f: {  	_ =	shalt  }
0x50: {  	_ =	shalt  }
0x51: {  	_ =	shalt  }
0x52: {  	_ =	shalt  }
0x53: {  	_ =	shalt  }
0x54: {  	_ =	shalt  }
0x55: {  	_ =	shalt  }
0x56: {  	_ =	shalt  }
0x57: {  	_ =	shalt  }
0x58: {  	_ =	shalt  }
0x59: {  	_ =	shalt  }
0x5a: {  	_ =	shalt  }
0x5b: {  	_ =	shalt  }
0x5c: {  	_ =	shalt  }
0x5d: {  	_ =	shalt  }
0x5e: {  	_ =	shalt  }
0x5f: {  	_ =	shalt  }
0x60: {  	_ =	shalt  }
0x61: {  	_ =	shalt  }
0x62: {  	_ =	shalt  }
0x63: {  	_ =	shalt  }
0x64: {  	_ =	shalt  }
0x65: {  	_ =	shalt  }
0x66: {  	_ =	shalt  }
0x67: {  	_ =	shalt  }
0x68: {  	_ =	shalt  }
0x69: {  	_ =	shalt  }
0x6a: {  	_ =	shalt  }
0x6b: {  	_ =	shalt  }
0x6c: {  	_ =	shalt  }
0x6d: {  	_ =	shalt  }
0x6e: {  	_ =	shalt  }
0x6f: {  	_ =	shalt  }
0x70: {  	_ =	shalt  }
0x71: {  	_ =	shalt  }
0x72: {  	_ =	shalt  }
0x73: {  	_ =	shalt  }
0x74: {  	_ =	shalt  }
0x75: {  	_ =	shalt  }
0x76: {  	_ =	shalt  }
0x77: {  	_ =	shalt  }
0x78: {  	_ =	shalt  }
0x79: {  	_ =	shalt  }
0x7a: {  	_ =	shalt  }
0x7b: {  	_ =	shalt  }
0x7c: {  	_ =	shalt  }
0x7d: {  	_ =	shalt  }
0x7e: {  	_ =	shalt  }
0x7f: {  	_ =	shalt  }
0x80: {  	_ =	shalt  }
0x81: {  	_ =	shalt  }
0x82: {  	_ =	shalt  }
0x83: {  	_ =	shalt  }
0x84: {  	_ =	shalt  }
0x85: {  	_ =	shalt  }
0x86: {  	_ =	shalt  }
0x87: {  	_ =	shalt  }
.Lfunc_end0:
.L_simem_size_0:
called_computation_lowered:
.L_overlay_start_0:
0x88: {  	s2 =	sld [smem:$0x3FD9]  }
0x89: {  	s3 =	sld [smem:$0x3FFE];
	_ =	sdelay $0x1  }
0x8a: {  	s1 =	srdreg.scid  }
0x8b: {  	s0 =	sand.u32 $0x1, s1  }
0x8c: {  	s16 =	sshll.u32 s0, $0xA;
	s2 =	sadd.s32 s3, s2  }
0x8d: {  	s2 =	sadd.s32 s2, s16  }
0x8e: {  	[smem:$0x3FC3] =	sst s2  }
0x8f: {  	_ = 	snop  }
0x90: {  	(tm) =	ssettm $0x1  }
0x91: {  	s17 =	sld [smem:$0x3FFB];
	_ =	sdelay $0x3  }
0x92: {  	_ =	strace s17  }
0x93: {  	s2 =	sld [smem:$0x3FFC];
	_ =	sdelay $0x3  }
0x94: {  	_ =	strace s2  }
0x95: {  	s2 =	sld [smem:$0x3FFD];
	_ =	sdelay $0x3  }
0x96: {  	_ =	strace s2  }
0x97: {  	_ =	strace $0x8FFFFFFF  }
0x98: {  	s18 =	sld [smem:$0x3FDB];
	_ =	sdelay $0x1  }
0x99: {  	s19 =	simm.s32 $_scs_section_size  }
0x9a: {  	s4 =	simm.s32 $_size__tile_overlayer_lowered;
	s5 =	simm.s32 $_tile_overlayer_lowered  }
0x9b: {  	s22 =	simm.s32 $0x1BFF;
	s21 =	sshll.u32 s5, $0x1;
	s2 =	sadd.s32 s19, s18  }
0x9c: {  	s6 =	simm.s32 $0x0;
	s20 =	sshll.u32 s4, $0x1;
	s4 =	sadd.s32 s21, s2  }
0x9d: {  	[timem:s6], [sflag:s22] =	dma.local [hbm:s4], s20  }
0x9e: {  	_ =	swait.ge [sflag:s22], s20  }
0x9f: {  	s3 =	ssub.s32 $0x0, s20;
	[sflag:s22] =	ssyncset.done $0x0  }
0xa0: {  	[sflag:s22] =	ssyncadd.s32 s3;
	_ =	sdelay $0x1  }
0xa1: {  	s23 =	simm.s32 $0x1B8B  }
0xa2: {  	_ =	swait.ge [sflag:s23], $0x1  }
0xa3: {  	[sflag:s23] =	ssyncset.done $0x0  }
0xa4: {  	s25 =	simm.s32 $0x1B8E;
	s24 =	sld [smem:$0x3FFE];
	[sflag:s23] =	ssyncadd.s32 $0xFFFFFFFF  }
0xa5: {  	s26 =	simm.s32 $execute0_lowered;
	[smem:$0x3FD2] =	sst s25  }
0xa6: {  	s4 =	sshll.u32 s26, $0x1;
	_ =	strace $0x80000046;
	[dreg:$0x1] =	wrdreg $0xFFFFFFFF  }
0xa7: {  	s28 =	simm.s32 $_size_execute0_lowered;
	s2 =	sadd.s32 s2, s4;
	[dreg:$0x0] =	wrdreg $0x0  }
0xa8: {  	s4 =	sshll.u32 s28, $0x1;
	[dreg:$0x2] =	wrdreg s2  }
0xa9: {  	[dreg:$0x3] =	wrdreg s4  }
0xaa: {  	[dreg:$0x4] =	wrdreg $0xC0  }
0xab: {  	_ =	task [dreg:s6], $0x5FFFF  }
0xac: {  	[dreg:$0x1] =	wrdreg $0xFFFFFFFF  }
0xad: {  	[dreg:$0x0] =	wrdreg $0x60  }
0xae: {  	[dreg:$0x2] =	wrdreg s24  }
0xaf: {  	[dreg:$0x3] =	wrdreg $0x9  }
0xb0: {  	_ =	task.clear_ibuf [dreg:s6], $0x4FFFF;
	_ =	strace $0x90000046  }
0xb1: {  	s29 =	simm.s32 $0x9;
	_ =	strace $0x80000048  }
0xb2: {  	_ =	swait.ge [sflag:s29], $0x1  }
0xb3: {  	[sflag:s29] =	ssyncadd.s32 $0xFFFFFFFF  }
0xb4: {  	_ =	strace $0x90000048  }
0xb5: {  	_ =	sfence  }
0xb6: {  	s30 =	sld [smem:$0x0];
	_ =	sdelay $0x2  }
0xb7: {  	s31 =	sshll.u32 s1, $0xD;
	s1 =	sshrl.u32 s1, $0x2  }
0xb8: {  	s3 =	sand.u32 $0x4000, s31;
	s1 =	sadd.s32 s1, s30  }
0xb9: {  	s0 =	sor.u32 s3, s0;
	s1 =	sshll.u32 s1, $0x11  }
0xba: {  	s0 =	sor.u32 s1, s0  }
0xbb: {  	s0 =	sadd.s32 $0x8F2B, s0  }
0xbc: {  	[sflag:s0] =	ssyncadd.remote.s32 $0x1  }
0xbd: {  	_ =	sfence.sel $0xFFFF  }
0xbe: {  	[dreg:$0x0] =	wrdreg $0xFFFFFFFF;
	(pc) =	sbr.abs _section_cstart, $3  }
0xbf: {  	[dreg:$0x1] =	wrdreg $0xFFFFFFFF  }
0xc0: {  	_ =	task.clear_ibuf [dreg:s6], $0x2FFFF;
	_ =	strace $0x9FFFFFFF  }
0xc1: {  	(tm) =	ssettm $0x7FFFFFFF  }
tec
execute0_lowered:
.L_overlay_start_1:
0x0: {  	(tag) =	ssettag $0x1  }
0x1: {  	s4 =	rddreg [dreg:$0x0]  }
0x2: {  	s0 =	rddreg [dreg:$0x1];
	s2 =	simm.s32 $0x0;
	s3 =	srdreg.scid  }
0x3: {  	s1 =	stileid.u32;
	s16 =	simm.s32 $0x1;
	s17 =	simm.s32 $0x2  }
0x4: {  	s18 =	simm.s32 $0x0;
	[smem:$0x7FF] =	sst s2;
	s12 =	smul.u32 $0x6000, s1  }
0x5: {  	s9 =	sand.u32 $0x1, s3;
	s26 =	sshll.u32 s1, $0x1;
	s30 =	smul.u32 $0x60000, s1  }
0x6: {  	s3 =	sadd.s32 $0x181E00, s4;
	s11 =	sadd.s32 $0x11E00, s4;
	s14 =	smul.u32 $0x3000, s9  }
0x7: {  	s5 =	sor.u32 s9, s26;
	s6 =	ssub.s32 $0x2, s9;
	s15 =	smul.u32 $0x30000, s9  }
0x8: {  	s10 =	sadd.s32 $0x301E00, s4;
	s7 =	smul.u32 $0x3000, s5;
	s28 =	sshrl.u32 s6, $0x1  }
0x9: {  	_ =	strace $0x80000047;
	s5 =	smul.u32 $0x30000, s5;
	s6 =	ssub.s32 s6, s28  }
0xa: {  	s12 =	sadd.s32 s14, s12;
	s29 =	sshrl.u32 s7, $0x3;
	s8 =	sadd.s32 $0x2E80, s7  }
0xb: {  	s13 =	sadd.s32 s10, s5;
	s5 =	smax.u32 s6, $0x1;
	s14 =	sor.u32 $0x300, s12  }
0xc: {  	s12 =	sor.u32 $0x180, s12;
	s4 =	sadd.s32 s11, s29;
	s7 =	sshrl.u32 s8, $0x3  }
0xd: {  	s8 =	sshll.u32 s8, $0x4;
	s31 =	sshrl.u32 s14, $0x3;
	s12 =	sshrl.u32 s12, $0x3  }
0xe: {  	s14 =	simm.s32 $0x300;
	s6 =	sadd.s32 s11, s7;
	s7 =	sadd.s32 $0x2D000, s13  }
0xf: {  	s8 =	sadd.s32 s10, s8;
	s10 =	sadd.s32 s30, s10;
	s9 =	sadd.s32 s31, s11  }
0x10: {  	s11 =	sadd.s32 s12, s11;
	s12 =	simm.s32 $0x3;
	s10 =	sadd.s32 s15, s10  }
0x11: {  	s13 =	simm.s32 $0x180;
	s15 =	simm.s32 $0xC300;
	s10 =	sadd.s32 $0x1800, s10  }
.LBB2_1:
0x12: {  	[tilespmem:s2], [sflag:$0x3] =	stream.linear.gather [hbm4b:s4+s2], $0x180, $0x38;
	[tilespmem:$0x18300] =	vst v63  }
0x13: {  	_ =	swait.ge [sflag:s12], $0x180  }
0x14: {  	[sflag:s12] =	ssyncset.done $0x0  }
0x15: {  	[sflag:s12] =	ssyncadd.s32 $0xFFFFFE80  }
0x16: {  	[tilespmem:s14], [sflag:$0x1] =	stream.indirect.gather [hbm4b:s3+s13], $0x80, s2, s13, $0xb8;
	[tilespmem:$0x18300] =	vst v63  }
0x17: {  	s19 =	sadd.s32 $0x0, s11  }
0x18: {  	[tilespmem:s13], [sflag:$0x3] =	stream.linear.gather [hbm4b:s19+s2], $0x180, $0x38;
	[tilespmem:$0x18300] =	vst v63  }
0x19: {  	_ =	swait.ge [sflag:s12], $0x180  }
0x1a: {  	[sflag:s12] =	ssyncset.done $0x0  }
0x1b: {  	[sflag:s12] =	ssyncadd.s32 $0xFFFFFE80  }
0x1c: {  	[tilespmem:s15], [sflag:$0x2] =	stream.indirect.gather [hbm4b:s3+s13], $0x80, s13, s13, $0xb8;
	[tilespmem:$0x18300] =	vst v63  }
0x1d: {  	_ =	swait.ge [sflag:s16], $0xC000  }
0x1e: {  	[sflag:s16] =	ssyncset.done $0x0  }
0x1f: {  	s30 =	sadd.s32 $0xFFFFE800, s10;
	[sflag:s16] =	ssyncadd.s32 $0xFFFF4000  }
0x20: {  	[hbm4b:s30+s2] =	stream.linear.scatter [tilespmem:s14], [sflag:$0x3], $0xC000, $0x38;
	[tilespmem:$0x18300] =	vst v63  }
0x21: {  	_ =	swait.ge [sflag:s12], $0xC000  }
0x22: {  	[sflag:s12] =	ssyncset.done $0x0  }
0x23: {  	s31 =	sadd.s32 $0x0, s9;
	[sflag:s12] =	ssyncadd.s32 $0xFFFF4000  }
0x24: {  	[tilespmem:s2], [sflag:$0x3] =	stream.linear.gather [hbm4b:s31+s2], $0x180, $0x38;
	[tilespmem:$0x18300] =	vst v63  }
0x25: {  	_ =	swait.ge [sflag:s12], $0x180  }
0x26: {  	[sflag:s12] =	ssyncset.done $0x0  }
0x27: {  	[sflag:s12] =	ssyncadd.s32 $0xFFFFFE80  }
0x28: {  	[tilespmem:s14], [sflag:$0x1] =	stream.indirect.gather [hbm4b:s3+s13], $0x80, s2, s13, $0xb8;
	[tilespmem:$0x18300] =	vst v63  }
0x29: {  	_ =	swait.ge [sflag:s17], $0xC000  }
0x2a: {  	[sflag:s17] =	ssyncset.done $0x0  }
0x2b: {  	[sflag:s17] =	ssyncadd.s32 $0xFFFF4000  }
0x2c: {  	[hbm4b:s10+s2] =	stream.linear.scatter [tilespmem:s15], [sflag:$0x3], $0xC000, $0x38;
	[tilespmem:$0x18300] =	vst v63  }
0x2d: {  	s20 =	simm.s32 $0x60;
	_ =	swait.ge [sflag:s12], $0xC000  }
0x2e: {  	s21 =	simm.s32 $0xC0;
	s19 =	sadd.s32 $0x3000, s10;
	[sflag:s12] =	ssyncset.done $0x0  }
.LBB2_2:
0x2f: {  	s22 =	sadd.s32 s20, s11  }
0x30: {  	[sflag:s12] =	ssyncadd.s32 $0xFFFF4000;
	s23 =	smov.u32 s21;
	s24 =	sadd.s32 $0x60, s21  }
0x31: {  	[tilespmem:s13], [sflag:$0x3] =	stream.linear.gather [hbm4b:s22+s2], $0x180, $0x38;
	[tilespmem:$0x18300] =	vst v63  }
0x32: {  	p0 =	sne.s32 s21, $0x540;
	_ =	swait.ge [sflag:s12], $0x180  }
0x33: {  	[sflag:s12] =	ssyncset.done $0x0  }
0x34: {  	[sflag:s12] =	ssyncadd.s32 $0xFFFFFE80  }
0x35: {  	[tilespmem:s15], [sflag:$0x2] =	stream.indirect.gather [hbm4b:s3+s13], $0x80, s13, s13, $0xb8;
	[tilespmem:$0x18300] =	vst v63  }
0x36: {  	_ =	swait.ge [sflag:s16], $0xC000  }
0x37: {  	[sflag:s16] =	ssyncset.done $0x0  }
0x38: {  	s21 =	sadd.s32 $0xFFFFE800, s19;
	[sflag:s16] =	ssyncadd.s32 $0xFFFF4000  }
0x39: {  	[hbm4b:s21+s2] =	stream.linear.scatter [tilespmem:s14], [sflag:$0x3], $0xC000, $0x38;
	[tilespmem:$0x18300] =	vst v63  }
0x3a: {  	_ =	swait.ge [sflag:s12], $0xC000  }
0x3b: {  	[sflag:s12] =	ssyncset.done $0x0  }
0x3c: {  	s21 =	sadd.s32 s20, s9;
	s20 =	smov.u32 s23;
	[sflag:s12] =	ssyncadd.s32 $0xFFFF4000  }
0x3d: {  	[tilespmem:s2], [sflag:$0x3] =	stream.linear.gather [hbm4b:s21+s2], $0x180, $0x38;
	[tilespmem:$0x18300] =	vst v63  }
0x3e: {  	_ =	swait.ge [sflag:s12], $0x180  }
0x3f: {  	[sflag:s12] =	ssyncset.done $0x0  }
0x40: {  	[sflag:s12] =	ssyncadd.s32 $0xFFFFFE80  }
0x41: {  	[tilespmem:s14], [sflag:$0x1] =	stream.indirect.gather [hbm4b:s3+s13], $0x80, s2, s13, $0xb8;
	[tilespmem:$0x18300] =	vst v63  }
0x42: {  	_ =	swait.ge [sflag:s17], $0xC000  }
.Ltmp0:
0x43: {  	[sflag:s17] =	ssyncset.done $0x0;
	(pc) =	sbr.rel @p0 .LBB2_2-.Ltmp0, $4  }
0x44: {  	[sflag:s17] =	ssyncadd.s32 $0xFFFF4000  }
0x45: {  	[hbm4b:s19+s2] =	stream.linear.scatter [tilespmem:s15], [sflag:$0x3], $0xC000, $0x38;
	[tilespmem:$0x18300] =	vst v63  }
0x46: {  	_ =	swait.ge [sflag:s12], $0xC000  }
0x47: {  	s21 =	smov.u32 s24;
	s19 =	sadd.s32 $0x3000, s19;
	[sflag:s12] =	ssyncset.done $0x0  }
0x48: {  	s21 =	sadd.s32 s20, s11;
	[sflag:s12] =	ssyncadd.s32 $0xFFFF4000  }
0x49: {  	[tilespmem:s13], [sflag:$0x3] =	stream.linear.gather [hbm4b:s21+s2], $0x180, $0x38;
	[tilespmem:$0x18300] =	vst v63  }
0x4a: {  	_ =	swait.ge [sflag:s12], $0x180  }
0x4b: {  	[sflag:s12] =	ssyncset.done $0x0  }
0x4c: {  	[sflag:s12] =	ssyncadd.s32 $0xFFFFFE80  }
0x4d: {  	[tilespmem:s15], [sflag:$0x2] =	stream.indirect.gather [hbm4b:s3+s13], $0x80, s13, s13, $0xb8;
	[tilespmem:$0x18300] =	vst v63  }
0x4e: {  	_ =	swait.ge [sflag:s16], $0xC000  }
0x4f: {  	[sflag:s16] =	ssyncset.done $0x0  }
0x50: {  	s30 =	sadd.s32 $0xFFFFE800, s19;
	[sflag:s16] =	ssyncadd.s32 $0xFFFF4000  }
0x51: {  	[hbm4b:s30+s2] =	stream.linear.scatter [tilespmem:s14], [sflag:$0x3], $0xC000, $0x38;
	[tilespmem:$0x18300] =	vst v63  }
0x52: {  	_ =	swait.ge [sflag:s12], $0xC000  }
0x53: {  	[sflag:s12] =	ssyncset.done $0x0  }
0x54: {  	s31 =	sadd.s32 s20, s9;
	[sflag:s12] =	ssyncadd.s32 $0xFFFF4000  }
0x55: {  	[tilespmem:s2], [sflag:$0x3] =	stream.linear.gather [hbm4b:s31+s2], $0x180, $0x38;
	[tilespmem:$0x18300] =	vst v63  }
0x56: {  	_ =	swait.ge [sflag:s12], $0x180  }
0x57: {  	[sflag:s12] =	ssyncset.done $0x0  }
0x58: {  	[sflag:s12] =	ssyncadd.s32 $0xFFFFFE80  }
0x59: {  	[tilespmem:s14], [sflag:$0x1] =	stream.indirect.gather [hbm4b:s3+s13], $0x80, s2, s13, $0xb8;
	[tilespmem:$0x18300] =	vst v63  }
0x5a: {  	_ =	swait.ge [sflag:s17], $0xC000  }
0x5b: {  	[sflag:s17] =	ssyncset.done $0x0  }
0x5c: {  	[sflag:s17] =	ssyncadd.s32 $0xFFFF4000  }
0x5d: {  	[hbm4b:s19+s2] =	stream.linear.scatter [tilespmem:s15], [sflag:$0x3], $0xC000, $0x38;
	[tilespmem:$0x18300] =	vst v63  }
0x5e: {  	_ =	swait.ge [sflag:s12], $0xC000  }
0x5f: {  	[sflag:s12] =	ssyncset.done $0x0  }
0x60: {  	[sflag:s12] =	ssyncadd.s32 $0xFFFF4000  }
0x61: {  	[tilespmem:s13], [sflag:$0x3] =	stream.linear.gather [hbm4b:s6+s2], $0x180, $0x38;
	[tilespmem:$0x18300] =	vst v63  }
0x62: {  	_ =	swait.ge [sflag:s12], $0x180  }
0x63: {  	[sflag:s12] =	ssyncset.done $0x0  }
0x64: {  	[sflag:s12] =	ssyncadd.s32 $0xFFFFFE80  }
0x65: {  	[tilespmem:s15], [sflag:$0x2] =	stream.indirect.gather [hbm4b:s3+s13], $0x80, s13, s13, $0xb8;
	[tilespmem:$0x18300] =	vst v63  }
0x66: {  	_ =	swait.ge [sflag:s16], $0xC000  }
0x67: {  	[sflag:s16] =	ssyncset.done $0x0  }
0x68: {  	[sflag:s16] =	ssyncadd.s32 $0xFFFF4000  }
0x69: {  	[hbm4b:s7+s2] =	stream.linear.scatter [tilespmem:s14], [sflag:$0x3], $0xC000, $0x38;
	[tilespmem:$0x18300] =	vst v63  }
0x6a: {  	_ =	swait.ge [sflag:s12], $0xC000  }
0x6b: {  	[sflag:s12] =	ssyncset.done $0x0  }
0x6c: {  	[sflag:s12] =	ssyncadd.s32 $0xFFFF4000  }
0x6d: {  	s18 =	sadd.s32 $0x1, s18;
	_ =	swait.ge [sflag:s17], $0xC000  }
0x6e: {  	p0 =	sne.s32 s18, s5;
	[sflag:s17] =	ssyncset.done $0x0  }
.Ltmp1:
0x6f: {  	[sflag:s17] =	ssyncadd.s32 $0xFFFF4000;
	(pc) =	sbr.rel @p0 .LBB2_1-.Ltmp1, $4  }
0x70: {  	[hbm4b:s8+s2] =	stream.linear.scatter [tilespmem:s15], [sflag:$0x3], $0xC000, $0x38;
	[tilespmem:$0x18300] =	vst v63  }
0x71: {  	_ =	swait.ge [sflag:s12], $0xC000  }
0x72: {  	[sflag:s12] =	ssyncset.done $0x0  }
0x73: {  	[sflag:s12] =	ssyncadd.s32 $0xFFFF4000  }
0x74: {  	_ =	sfence.sel $0x180000  }
0x75: {  	[bflag:$0x0] =	sbarrier.arrive $0xFFFF  }
0x76: {  	p0 =	sne.s32 s1, $0x0;
	_ =	strace $0x90000047  }
0x77: {  	s0 =	sadd.s32 @!p0 $0x100000, s0;
	[bflag:$0x2] =	sbarrier.arrive $0xFFFF  }
0x78: {  	[sflag:s0] =	ssyncadd.tile.s32 @!p0 $0x1;
	_ =	shalt  }
.Lfunc_end2:
_tile_overlayer_lowered:
.L_overlay_start_2:
0x79: {  	(tag) =	ssettag $0x2  }
0x7a: {  	s0 =	rddreg [dreg:$0x0];
	s2 =	stileid.u32  }
0x7b: {  	s1 =	rddreg [dreg:$0x1];
	p0 =	sne.s32 s2, $0x0  }
0x7c: {  	s3 =	rddreg [dreg:$0x2];
	[bflag:$0x3] =	sbarrier.arrive $0xFFFF;
	s2 =	simm.s32 @!p0 $0x1C03  }
0x7d: {  	[timem:s3], [sflag:s2] =	dma.local @!p0 [hbm:s0], s1  }
0x7e: {  	s0 =	simm.s32 @!p0 $0x3  }
0x7f: {  	_ =	swait.ge @!p0 [sflag:s0], s1  }
0x80: {  	s1 =	ssub.s32 @!p0 $0x0, s1;
	[sflag:s0] =	ssyncset.done @!p0 $0x0  }
0x81: {  	[sflag:s0] =	ssyncadd.s32 @!p0 s1  }
0x82: {  	[bflag:$0x3] =	sbarrier.arrive $0xFFFF  }
0x83: {  	_ =	shalt  }

</sc_bundles>
